<compile_context>
chip_gen: v7x
topology: tpu7x:2x2x1
jax: 0.10.2.dev20260603
libtpu: 0.0.44.dev20260713+nightly
codegen_flags: <defaults>
</compile_context>

<pallas_src>
import functools

import jax
import jax.numpy as jnp
from jax import lax
from jax.experimental import pallas as pl
from jax.experimental.pallas import tpu as pltpu
from jax.experimental.pallas import tpu_sc as plsc

B = 16
T = 32768
F = 128
NC = 2
NS = 16
NW = NC * NS
T_SC = 12288
ROWS_PER_W = T_SC // NW
CH = 128
NCH = ROWS_PER_W // CH
TBLK = 4096
N_TC = T - T_SC


def _seg_pool_body(feat_hbm, ids_hbm, sums_hbm, *scratch):
    ids_v = scratch[0]
    bufs = scratch[1:1 + NCH]
    zf_v = scratch[1 + NCH]
    acc_sh = scratch[2 + NCH]
    gsems = scratch[3 + NCH:3 + 2 * NCH]
    ssems = scratch[3 + 2 * NCH:3 + 3 * NCH]

    cid = lax.axis_index("c")
    sid = lax.axis_index("s")
    wid = cid * NS + sid
    base = wid * ROWS_PER_W

    g_desc = [
        pltpu.async_copy(feat_hbm.at[pl.ds(base + j * CH, CH)], bufs[j], gsems[j])
        for j in range(NCH)
    ]
    for j in range(NCH):
        pltpu.sync_copy(ids_hbm.at[pl.ds(base + j * CH, CH)], ids_v.at[j])

    off = sid * B
    for j in range(NCH):
        for k in range(CH // 16):
            sl = pl.ds(k * 16, 16)
            ids_v[j, sl] = ids_v[j, sl] + off

    zero = jnp.zeros((16,), dtype=jnp.float32)
    for i in range(B):
        for j in range(F // 16):
            zf_v[i, pl.ds(j * 16, 16)] = zero
    pltpu.sync_copy(zf_v, acc_sh.at[pl.ds(sid * B, B)])

    s_desc = []
    for j in range(NCH):
        g_desc[j].wait()
        s_desc.append(pltpu.async_copy(
            bufs[j], acc_sh.at[ids_v.at[j]], ssems[j], add=True))
    for d in s_desc:
        d.wait()

    pltpu.sync_copy(acc_sh.at[pl.ds(sid * B, B)], sums_hbm.at[wid])


_seg_pool = pl.kernel(
    _seg_pool_body,
    out_type=jax.ShapeDtypeStruct((NW, B, F), jnp.float32),
    mesh=plsc.VectorSubcoreMesh(core_axis_name="c", subcore_axis_name="s"),
    scratch_types=(
        [pltpu.VMEM((NCH, CH), jnp.int32)]
        + [pltpu.VMEM((CH, F), jnp.float32)] * NCH
        + [pltpu.VMEM((B, F), jnp.float32)]
        + [pltpu.VMEM_SHARED((NS * B, F), jnp.float32)]
        + [pltpu.SemaphoreType.DMA] * (2 * NCH)
    ),
)


def _counts_body(ids_ref, cnt_ref, lo_ref, hi_ref):
    ids = ids_ref[...]
    counts = [jnp.sum((ids == b).astype(jnp.int32)).reshape(1, 1)
              for b in range(B)]
    cnt_ref[...] = jnp.concatenate(
        [c.astype(jnp.float32) for c in counts], axis=1)
    los, his = [], []
    running = jnp.zeros((1, 1), jnp.int32)
    for b in range(B):
        los.append(running)
        running = running + counts[b]
        his.append(running)
    lo_ref[...] = jnp.concatenate(los, axis=1)
    hi_ref[...] = jnp.concatenate(his, axis=1)


_counts = pl.pallas_call(
    _counts_body,
    out_shape=(
        jax.ShapeDtypeStruct((1, B), jnp.float32),
        jax.ShapeDtypeStruct((1, B), jnp.int32),
        jax.ShapeDtypeStruct((1, B), jnp.int32),
    ),
)


def _tcsum_body(lo_ref, hi_ref, feat_ref, acc_ref):
    i = pl.program_id(0)

    @pl.when(i == 0)
    def _z():
        acc_ref[...] = jnp.zeros_like(acc_ref)

    rowtok = (T_SC + i * TBLK
              + lax.broadcasted_iota(jnp.int32, (TBLK, B), 0))
    lo = lo_ref[...]
    hi = hi_ref[...]
    oh = ((rowtok >= lo) & (rowtok < hi)).astype(jnp.float32)
    feat = feat_ref[...]
    f_hi = feat.astype(jnp.bfloat16).astype(jnp.float32)
    f_lo = feat - f_hi
    dims = (((0,), (0,)), ((), ()))
    acc_ref[...] += (
        lax.dot_general(oh, f_hi, dims, preferred_element_type=jnp.float32)
        + lax.dot_general(oh, f_lo, dims, preferred_element_type=jnp.float32))


_tcsum = pl.pallas_call(
    _tcsum_body,
    grid=(N_TC // TBLK,),
    in_specs=[
        pl.BlockSpec((1, B), lambda i: (0, 0)),
        pl.BlockSpec((1, B), lambda i: (0, 0)),
        pl.BlockSpec((TBLK, F), lambda i: (i + T_SC // TBLK, 0)),
    ],
    out_specs=pl.BlockSpec((B, F), lambda i: (0, 0)),
    out_shape=jax.ShapeDtypeStruct((B, F), jnp.float32),
)


def _combine_body(sums_ref, tc_ref, cnt_ref, out_ref):
    s = tc_ref[...]
    for w in range(NW):
        s = s + sums_ref[w]
    c = cnt_ref[0, :][:, None]
    out_ref[...] = s / jnp.maximum(c, 1.0)


_combine = pl.pallas_call(
    _combine_body,
    out_shape=jax.ShapeDtypeStruct((B, F), jnp.float32),
)


@jax.jit
def kernel(flat_points, flat_features, segment_ids):
    ids32 = segment_ids.astype(jnp.int32)
    ids2d = ids32.reshape(T // CH, CH)
    sums = _seg_pool(flat_features, ids32)
    cnt, lo, hi = _counts(ids2d)
    tc_part = _tcsum(lo, hi, flat_features)
    pooled = _combine(sums, tc_part, cnt)
    return (flat_points, pooled)

# --- scband reference (transcript-rebuilt; emitter-appended) ---
"""Pipeline reference for scband-global-pooling-layer-69320772158007 (READ-ONLY COPY).

The authoritative reference and input builder live on the scoring server;
editing this copy changes nothing except your own understanding.
"""

import jax, jax.numpy as jnp
import numpy as np

B = 16
T = 32768
F = 128

def setup_inputs(seed: int = 0) -> dict:
    key = jax.random.key(seed)
    k1, k2, k3 = jax.random.split(key, 3)
    flat_points = jax.random.normal(k1, (T, 3), dtype=jnp.float32)
    flat_features = jax.random.normal(k2, (T, F), dtype=jnp.float32)
    segment_ids = jnp.sort(jax.random.randint(k3, (T,), 0, B)).astype(jnp.int64)
    return {"flat_points": flat_points, "flat_features": flat_features, "segment_ids": segment_ids}

def reference(flat_points, flat_features, segment_ids):
    # GlobalPoolingLayer(method='average') on ragged (B,(N),F):
    # tf.reduce_mean over the ragged axis == per-segment mean over tokens.
    sums = jax.ops.segment_sum(flat_features, segment_ids, num_segments=B)
    counts = jax.ops.segment_sum(jnp.ones((flat_features.shape[0],), dtype=flat_features.dtype), segment_ids, num_segments=B)
    pooled = sums / jnp.maximum(counts, 1.0)[:, None]
    # Layer returns (points, pooled_features); points passed through unchanged.
    return (flat_points, pooled)

if __name__ == "__main__":
    import jax
    _d = setup_inputs()
    print(jax.jit(kernel)(*tuple(_d.values())))

</pallas_src>

<mosaic_0001>
#map = affine_map<(d0, d1) -> (0, 0)>
#map1 = affine_map<(d0, d1) -> (0)>
#map2 = affine_map<(d0, d1) -> (0, 0, 0)>
module attributes {stable_mosaic.version = 14 : i64} {
  func.func @_seg_pool_body(%arg0: i32, %arg1: i32, %arg2: memref<32768x128xf32, #tpu.memory_space<hbm>>, %arg3: memref<32768xi32, #tpu.memory_space<hbm>>, %arg4: memref<32x16x128xf32, #tpu.memory_space<hbm>>, %arg5: memref<3x128xi32, #tpu.memory_space<vmem>>, %arg6: memref<128x128xf32, #tpu.memory_space<vmem>>, %arg7: memref<128x128xf32, #tpu.memory_space<vmem>>, %arg8: memref<128x128xf32, #tpu.memory_space<vmem>>, %arg9: memref<16x128xf32, #tpu.memory_space<vmem>>, %arg10: memref<256x128xf32, #tpu.memory_space<vmem_shared>>, %arg11: memref<!tpu.dma_semaphore, #tpu.memory_space<semaphore_mem>>, %arg12: memref<!tpu.dma_semaphore, #tpu.memory_space<semaphore_mem>>, %arg13: memref<!tpu.dma_semaphore, #tpu.memory_space<semaphore_mem>>, %arg14: memref<!tpu.dma_semaphore, #tpu.memory_space<semaphore_mem>>, %arg15: memref<!tpu.dma_semaphore, #tpu.memory_space<semaphore_mem>>, %arg16: memref<!tpu.dma_semaphore, #tpu.memory_space<semaphore_mem>>) attributes {dimension_semantics = [#tpu.dimension_semantics<core_parallel>, #tpu.dimension_semantics<subcore_parallel>], iteration_bounds = array<i64: 2, 16>, scalar_prefetch = 0 : i64, scratch_operands = 12 : i64, tpu.core_type = #tpu.core_type<sc_vector_subcore>, window_params = [{transform_indices = #map}, {transform_indices = #map1}, {transform_indices = #map2}]} {
    %mul3A = arith.constant 16 : i32
    %mul3A_0 = arith.muli %arg0, %mul3A : i32
    %add3A = arith.addi %mul3A_0, %arg1 : i32
    %mul3A_1 = arith.constant 384 : i32
    %mul3A_2 = arith.muli %add3A, %mul3A_1 : i32
    %add3A_3 = arith.constant 0 : i32
    %add3A_4 = arith.addi %mul3A_2, %add3A_3 : i32
    %dma_start3A = arith.constant 0 : i32
    %dma_start3A_5 = tpu.memref_slice %arg2[%add3A_4, %dma_start3A] : memref<32768x128xf32, #tpu.memory_space<hbm>> -> memref<128x128xf32, #tpu.memory_space<hbm>>
    %dma_start3A_6 = arith.constant 0 : i32
    %dma_start3A_7 = tpu.memref_slice %arg2[%add3A_4, %dma_start3A_6] : memref<32768x128xf32, #tpu.memory_space<hbm>> -> memref<128x128xf32, #tpu.memory_space<hbm>>
    tpu.enqueue_dma source(%dma_start3A_7 : memref<128x128xf32, #tpu.memory_space<hbm>>) target(%arg6 : memref<128x128xf32, #tpu.memory_space<vmem>>) target_semaphore(%arg11 : memref<!tpu.dma_semaphore, #tpu.memory_space<semaphore_mem>>)
    %add3A_8 = arith.constant 128 : i32
    %add3A_9 = arith.addi %mul3A_2, %add3A_8 : i32
    %dma_start3A_10 = arith.constant 0 : i32
    %dma_start3A_11 = tpu.memref_slice %arg2[%add3A_9, %dma_start3A_10] : memref<32768x128xf32, #tpu.memory_space<hbm>> -> memref<128x128xf32, #tpu.memory_space<hbm>>
    %dma_start3A_12 = arith.constant 0 : i32
    %dma_start3A_13 = tpu.memref_slice %arg2[%add3A_9, %dma_start3A_12] : memref<32768x128xf32, #tpu.memory_space<hbm>> -> memref<128x128xf32, #tpu.memory_space<hbm>>
    tpu.enqueue_dma source(%dma_start3A_13 : memref<128x128xf32, #tpu.memory_space<hbm>>) target(%arg7 : memref<128x128xf32, #tpu.memory_space<vmem>>) target_semaphore(%arg12 : memref<!tpu.dma_semaphore, #tpu.memory_space<semaphore_mem>>)
    %add3A_14 = arith.constant 256 : i32
    %add3A_15 = arith.addi %mul3A_2, %add3A_14 : i32
    %dma_start3A_16 = arith.constant 0 : i32
    %dma_start3A_17 = tpu.memref_slice %arg2[%add3A_15, %dma_start3A_16] : memref<32768x128xf32, #tpu.memory_space<hbm>> -> memref<128x128xf32, #tpu.memory_space<hbm>>
    %dma_start3A_18 = arith.constant 0 : i32
    %dma_start3A_19 = tpu.memref_slice %arg2[%add3A_15, %dma_start3A_18] : memref<32768x128xf32, #tpu.memory_space<hbm>> -> memref<128x128xf32, #tpu.memory_space<hbm>>
    tpu.enqueue_dma source(%dma_start3A_19 : memref<128x128xf32, #tpu.memory_space<hbm>>) target(%arg8 : memref<128x128xf32, #tpu.memory_space<vmem>>) target_semaphore(%arg13 : memref<!tpu.dma_semaphore, #tpu.memory_space<semaphore_mem>>)
    %add3A_20 = arith.constant 0 : i32
    %add3A_21 = arith.addi %mul3A_2, %add3A_20 : i32
    %run_scoped3A = arith.constant 0 : i32
    "tpu.region"() ({
      %run_scoped3A_1166 = tpu.sem_alloc : memref<!tpu.dma_semaphore, #tpu.memory_space<semaphore_mem>>
      %dma_start3A_1167 = arith.constant 0 : i32
      %dma_start3A_1168 = tpu.memref_slice %arg5[%run_scoped3A, %dma_start3A_1167] : memref<3x128xi32, #tpu.memory_space<vmem>> -> memref<1x128xi32, #tpu.memory_space<vmem>>
      %dma_start3A_1169 = tpu.memref_squeeze %dma_start3A_1168 : memref<1x128xi32, #tpu.memory_space<vmem>> -> memref<128xi32, #tpu.memory_space<vmem>>
      %dma_start3A_1170 = tpu.memref_slice %arg3[%add3A_21] : memref<32768xi32, #tpu.memory_space<hbm>> -> memref<128xi32, #tpu.memory_space<hbm>>
      %dma_start3A_1171 = arith.constant 0 : i32
      %dma_start3A_1172 = tpu.memref_slice %arg5[%run_scoped3A, %dma_start3A_1171] : memref<3x128xi32, #tpu.memory_space<vmem>> -> memref<1x128xi32, #tpu.memory_space<vmem>>
      %dma_start3A_1173 = tpu.memref_squeeze %dma_start3A_1172 : memref<1x128xi32, #tpu.memory_space<vmem>> -> memref<128xi32, #tpu.memory_space<vmem>>
      %dma_start3A_1174 = tpu.memref_slice %arg3[%add3A_21] : memref<32768xi32, #tpu.memory_space<hbm>> -> memref<128xi32, #tpu.memory_space<hbm>>
      tpu.enqueue_dma source(%dma_start3A_1174 : memref<128xi32, #tpu.memory_space<hbm>>) target(%dma_start3A_1173 : memref<128xi32, #tpu.memory_space<vmem>>) target_semaphore(%run_scoped3A_1166 : memref<!tpu.dma_semaphore, #tpu.memory_space<semaphore_mem>>)
      %dma_wait3A_1175 = arith.constant 0 : i32
      %dma_wait3A_1176 = tpu.memref_slice %arg5[%run_scoped3A, %dma_wait3A_1175] : memref<3x128xi32, #tpu.memory_space<vmem>> -> memref<1x128xi32, #tpu.memory_space<vmem>>
      %dma_wait3A_1177 = tpu.memref_squeeze %dma_wait3A_1176 : memref<1x128xi32, #tpu.memory_space<vmem>> -> memref<128xi32, #tpu.memory_space<vmem>>
      %dma_wait3A_1178 = tpu.memref_slice %arg3[%add3A_21] : memref<32768xi32, #tpu.memory_space<hbm>> -> memref<128xi32, #tpu.memory_space<hbm>>
      %dma_wait3A_1179 = arith.constant 0 : i32
      %dma_wait3A_1180 = tpu.memref_slice %arg5[%run_scoped3A, %dma_wait3A_1179] : memref<3x128xi32, #tpu.memory_space<vmem>> -> memref<1x128xi32, #tpu.memory_space<vmem>>
      %dma_wait3A_1181 = tpu.memref_squeeze %dma_wait3A_1180 : memref<1x128xi32, #tpu.memory_space<vmem>> -> memref<128xi32, #tpu.memory_space<vmem>>
      %dma_wait3A_1182 = tpu.memref_slice %arg3[%add3A_21] : memref<32768xi32, #tpu.memory_space<hbm>> -> memref<128xi32, #tpu.memory_space<hbm>>
      tpu.wait_dma2 semaphore(%run_scoped3A_1166 : memref<!tpu.dma_semaphore, #tpu.memory_space<semaphore_mem>>) src(%dma_wait3A_1182 : memref<128xi32, #tpu.memory_space<hbm>>) dst(%dma_wait3A_1181 : memref<128xi32, #tpu.memory_space<vmem>>)
      tpu.yield
    }) : () -> ()
    %add3A_22 = arith.constant 128 : i32
    %add3A_23 = arith.addi %mul3A_2, %add3A_22 : i32
    %run_scoped3A_24 = arith.constant 1 : i32
    "tpu.region"() ({
      %run_scoped3A_1166 = tpu.sem_alloc : memref<!tpu.dma_semaphore, #tpu.memory_space<semaphore_mem>>
      %dma_start3A_1167 = arith.constant 0 : i32
      %dma_start3A_1168 = tpu.memref_slice %arg5[%run_scoped3A_24, %dma_start3A_1167] : memref<3x128xi32, #tpu.memory_space<vmem>> -> memref<1x128xi32, #tpu.memory_space<vmem>>
      %dma_start3A_1169 = tpu.memref_squeeze %dma_start3A_1168 : memref<1x128xi32, #tpu.memory_space<vmem>> -> memref<128xi32, #tpu.memory_space<vmem>>
      %dma_start3A_1170 = tpu.memref_slice %arg3[%add3A_23] : memref<32768xi32, #tpu.memory_space<hbm>> -> memref<128xi32, #tpu.memory_space<hbm>>
      %dma_start3A_1171 = arith.constant 0 : i32
      %dma_start3A_1172 = tpu.memref_slice %arg5[%run_scoped3A_24, %dma_start3A_1171] : memref<3x128xi32, #tpu.memory_space<vmem>> -> memref<1x128xi32, #tpu.memory_space<vmem>>
      %dma_start3A_1173 = tpu.memref_squeeze %dma_start3A_1172 : memref<1x128xi32, #tpu.memory_space<vmem>> -> memref<128xi32, #tpu.memory_space<vmem>>
      %dma_start3A_1174 = tpu.memref_slice %arg3[%add3A_23] : memref<32768xi32, #tpu.memory_space<hbm>> -> memref<128xi32, #tpu.memory_space<hbm>>
      tpu.enqueue_dma source(%dma_start3A_1174 : memref<128xi32, #tpu.memory_space<hbm>>) target(%dma_start3A_1173 : memref<128xi32, #tpu.memory_space<vmem>>) target_semaphore(%run_scoped3A_1166 : memref<!tpu.dma_semaphore, #tpu.memory_space<semaphore_mem>>)
      %dma_wait3A_1175 = arith.constant 0 : i32
      %dma_wait3A_1176 = tpu.memref_slice %arg5[%run_scoped3A_24, %dma_wait3A_1175] : memref<3x128xi32, #tpu.memory_space<vmem>> -> memref<1x128xi32, #tpu.memory_space<vmem>>
      %dma_wait3A_1177 = tpu.memref_squeeze %dma_wait3A_1176 : memref<1x128xi32, #tpu.memory_space<vmem>> -> memref<128xi32, #tpu.memory_space<vmem>>
      %dma_wait3A_1178 = tpu.memref_slice %arg3[%add3A_23] : memref<32768xi32, #tpu.memory_space<hbm>> -> memref<128xi32, #tpu.memory_space<hbm>>
      %dma_wait3A_1179 = arith.constant 0 : i32
      %dma_wait3A_1180 = tpu.memref_slice %arg5[%run_scoped3A_24, %dma_wait3A_1179] : memref<3x128xi32, #tpu.memory_space<vmem>> -> memref<1x128xi32, #tpu.memory_space<vmem>>
      %dma_wait3A_1181 = tpu.memref_squeeze %dma_wait3A_1180 : memref<1x128xi32, #tpu.memory_space<vmem>> -> memref<128xi32, #tpu.memory_space<vmem>>
      %dma_wait3A_1182 = tpu.memref_slice %arg3[%add3A_23] : memref<32768xi32, #tpu.memory_space<hbm>> -> memref<128xi32, #tpu.memory_space<hbm>>
      tpu.wait_dma2 semaphore(%run_scoped3A_1166 : memref<!tpu.dma_semaphore, #tpu.memory_space<semaphore_mem>>) src(%dma_wait3A_1182 : memref<128xi32, #tpu.memory_space<hbm>>) dst(%dma_wait3A_1181 : memref<128xi32, #tpu.memory_space<vmem>>)
      tpu.yield
    }) : () -> ()
    %add3A_25 = arith.constant 256 : i32
    %add3A_26 = arith.addi %mul3A_2, %add3A_25 : i32
    %run_scoped3A_27 = arith.constant 2 : i32
    "tpu.region"() ({
      %run_scoped3A_1166 = tpu.sem_alloc : memref<!tpu.dma_semaphore, #tpu.memory_space<semaphore_mem>>
      %dma_start3A_1167 = arith.constant 0 : i32
      %dma_start3A_1168 = tpu.memref_slice %arg5[%run_scoped3A_27, %dma_start3A_1167] : memref<3x128xi32, #tpu.memory_space<vmem>> -> memref<1x128xi32, #tpu.memory_space<vmem>>
      %dma_start3A_1169 = tpu.memref_squeeze %dma_start3A_1168 : memref<1x128xi32, #tpu.memory_space<vmem>> -> memref<128xi32, #tpu.memory_space<vmem>>
      %dma_start3A_1170 = tpu.memref_slice %arg3[%add3A_26] : memref<32768xi32, #tpu.memory_space<hbm>> -> memref<128xi32, #tpu.memory_space<hbm>>
      %dma_start3A_1171 = arith.constant 0 : i32
      %dma_start3A_1172 = tpu.memref_slice %arg5[%run_scoped3A_27, %dma_start3A_1171] : memref<3x128xi32, #tpu.memory_space<vmem>> -> memref<1x128xi32, #tpu.memory_space<vmem>>
      %dma_start3A_1173 = tpu.memref_squeeze %dma_start3A_1172 : memref<1x128xi32, #tpu.memory_space<vmem>> -> memref<128xi32, #tpu.memory_space<vmem>>
      %dma_start3A_1174 = tpu.memref_slice %arg3[%add3A_26] : memref<32768xi32, #tpu.memory_space<hbm>> -> memref<128xi32, #tpu.memory_space<hbm>>
      tpu.enqueue_dma source(%dma_start3A_1174 : memref<128xi32, #tpu.memory_space<hbm>>) target(%dma_start3A_1173 : memref<128xi32, #tpu.memory_space<vmem>>) target_semaphore(%run_scoped3A_1166 : memref<!tpu.dma_semaphore, #tpu.memory_space<semaphore_mem>>)
      %dma_wait3A_1175 = arith.constant 0 : i32
      %dma_wait3A_1176 = tpu.memref_slice %arg5[%run_scoped3A_27, %dma_wait3A_1175] : memref<3x128xi32, #tpu.memory_space<vmem>> -> memref<1x128xi32, #tpu.memory_space<vmem>>
      %dma_wait3A_1177 = tpu.memref_squeeze %dma_wait3A_1176 : memref<1x128xi32, #tpu.memory_space<vmem>> -> memref<128xi32, #tpu.memory_space<vmem>>
      %dma_wait3A_1178 = tpu.memref_slice %arg3[%add3A_26] : memref<32768xi32, #tpu.memory_space<hbm>> -> memref<128xi32, #tpu.memory_space<hbm>>
      %dma_wait3A_1179 = arith.constant 0 : i32
      %dma_wait3A_1180 = tpu.memref_slice %arg5[%run_scoped3A_27, %dma_wait3A_1179] : memref<3x128xi32, #tpu.memory_space<vmem>> -> memref<1x128xi32, #tpu.memory_space<vmem>>
      %dma_wait3A_1181 = tpu.memref_squeeze %dma_wait3A_1180 : memref<1x128xi32, #tpu.memory_space<vmem>> -> memref<128xi32, #tpu.memory_space<vmem>>
      %dma_wait3A_1182 = tpu.memref_slice %arg3[%add3A_26] : memref<32768xi32, #tpu.memory_space<hbm>> -> memref<128xi32, #tpu.memory_space<hbm>>
      tpu.wait_dma2 semaphore(%run_scoped3A_1166 : memref<!tpu.dma_semaphore, #tpu.memory_space<semaphore_mem>>) src(%dma_wait3A_1182 : memref<128xi32, #tpu.memory_space<hbm>>) dst(%dma_wait3A_1181 : memref<128xi32, #tpu.memory_space<vmem>>)
      tpu.yield
    }) : () -> ()
    %mul3A_28 = arith.constant 16 : i32
    %mul3A_29 = arith.muli %arg1, %mul3A_28 : i32
    %get3A = arith.constant 0 : i32
    %get3A_30 = arith.index_cast %get3A : i32 to index
    %get3A_31 = arith.constant 0 : index
    %get3A_32 = tpu.vector_load %arg5[%get3A_30, %get3A_31] {strides = array<i32>} : memref<3x128xi32, #tpu.memory_space<vmem>>, vector<1x16xi32>,
    %get3A_33 = vector.shape_cast %get3A_32 : vector<1x16xi32> to vector<16xi32>
    %add3A_34 = vector.broadcast %mul3A_29 : i32 to vector<16xi32>
    %add3A_35 = arith.addi %get3A_33, %add3A_34 : vector<16xi32>
    %swap3A = arith.constant 0 : i32
    %swap3A_36 = arith.index_cast %swap3A : i32 to index
    %swap3A_37 = arith.constant 0 : index
    %swap3A_38 = tpu.vector_load %arg5[%swap3A_36, %swap3A_37] {strides = array<i32>} : memref<3x128xi32, #tpu.memory_space<vmem>>, vector<1x16xi32>,
    %swap3A_39 = vector.shape_cast %swap3A_38 : vector<1x16xi32> to vector<16xi32>
    %swap3A_40 = vector.shape_cast %add3A_35 : vector<16xi32> to vector<1x16xi32>
    tpu.vector_store %arg5[%swap3A_36, %swap3A_37], %swap3A_40 {strides = array<i32>} : memref<3x128xi32, #tpu.memory_space<vmem>>, vector<1x16xi32>,
    %get3A_41 = arith.constant 0 : i32
    %get3A_42 = arith.index_cast %get3A_41 : i32 to index
    %get3A_43 = arith.constant 16 : index
    %get3A_44 = tpu.vector_load %arg5[%get3A_42, %get3A_43] {strides = array<i32>} : memref<3x128xi32, #tpu.memory_space<vmem>>, vector<1x16xi32>,
    %get3A_45 = vector.shape_cast %get3A_44 : vector<1x16xi32> to vector<16xi32>
    %add3A_46 = vector.broadcast %mul3A_29 : i32 to vector<16xi32>
    %add3A_47 = arith.addi %get3A_45, %add3A_46 : vector<16xi32>
    %swap3A_48 = arith.constant 0 : i32
    %swap3A_49 = arith.index_cast %swap3A_48 : i32 to index
    %swap3A_50 = arith.constant 16 : index
    %swap3A_51 = tpu.vector_load %arg5[%swap3A_49, %swap3A_50] {strides = array<i32>} : memref<3x128xi32, #tpu.memory_space<vmem>>, vector<1x16xi32>,
    %swap3A_52 = vector.shape_cast %swap3A_51 : vector<1x16xi32> to vector<16xi32>
    %swap3A_53 = vector.shape_cast %add3A_47 : vector<16xi32> to vector<1x16xi32>
    tpu.vector_store %arg5[%swap3A_49, %swap3A_50], %swap3A_53 {strides = array<i32>} : memref<3x128xi32, #tpu.memory_space<vmem>>, vector<1x16xi32>,
    %get3A_54 = arith.constant 0 : i32
    %get3A_55 = arith.index_cast %get3A_54 : i32 to index
    %get3A_56 = arith.constant 32 : index
    %get3A_57 = tpu.vector_load %arg5[%get3A_55, %get3A_56] {strides = array<i32>} : memref<3x128xi32, #tpu.memory_space<vmem>>, vector<1x16xi32>,
    %get3A_58 = vector.shape_cast %get3A_57 : vector<1x16xi32> to vector<16xi32>
    %add3A_59 = vector.broadcast %mul3A_29 : i32 to vector<16xi32>
    %add3A_60 = arith.addi %get3A_58, %add3A_59 : vector<16xi32>
    %swap3A_61 = arith.constant 0 : i32
    %swap3A_62 = arith.index_cast %swap3A_61 : i32 to index
    %swap3A_63 = arith.constant 32 : index
    %swap3A_64 = tpu.vector_load %arg5[%swap3A_62, %swap3A_63] {strides = array<i32>} : memref<3x128xi32, #tpu.memory_space<vmem>>, vector<1x16xi32>,
    %swap3A_65 = vector.shape_cast %swap3A_64 : vector<1x16xi32> to vector<16xi32>
    %swap3A_66 = vector.shape_cast %add3A_60 : vector<16xi32> to vector<1x16xi32>
    tpu.vector_store %arg5[%swap3A_62, %swap3A_63], %swap3A_66 {strides = array<i32>} : memref<3x128xi32, #tpu.memory_space<vmem>>, vector<1x16xi32>,
    %get3A_67 = arith.constant 0 : i32
    %get3A_68 = arith.index_cast %get3A_67 : i32 to index
    %get3A_69 = arith.constant 48 : index
    %get3A_70 = tpu.vector_load %arg5[%get3A_68, %get3A_69] {strides = array<i32>} : memref<3x128xi32, #tpu.memory_space<vmem>>, vector<1x16xi32>,
    %get3A_71 = vector.shape_cast %get3A_70 : vector<1x16xi32> to vector<16xi32>
    %add3A_72 = vector.broadcast %mul3A_29 : i32 to vector<16xi32>
    %add3A_73 = arith.addi %get3A_71, %add3A_72 : vector<16xi32>
    %swap3A_74 = arith.constant 0 : i32
    %swap3A_75 = arith.index_cast %swap3A_74 : i32 to index
    %swap3A_76 = arith.constant 48 : index
    %swap3A_77 = tpu.vector_load %arg5[%swap3A_75, %swap3A_76] {strides = array<i32>} : memref<3x128xi32, #tpu.memory_space<vmem>>, vector<1x16xi32>,
    %swap3A_78 = vector.shape_cast %swap3A_77 : vector<1x16xi32> to vector<16xi32>
    %swap3A_79 = vector.shape_cast %add3A_73 : vector<16xi32> to vector<1x16xi32>
    tpu.vector_store %arg5[%swap3A_75, %swap3A_76], %swap3A_79 {strides = array<i32>} : memref<3x128xi32, #tpu.memory_space<vmem>>, vector<1x16xi32>,
    %get3A_80 = arith.constant 0 : i32
    %get3A_81 = arith.index_cast %get3A_80 : i32 to index
    %get3A_82 = arith.constant 64 : index
    %get3A_83 = tpu.vector_load %arg5[%get3A_81, %get3A_82] {strides = array<i32>} : memref<3x128xi32, #tpu.memory_space<vmem>>, vector<1x16xi32>,
    %get3A_84 = vector.shape_cast %get3A_83 : vector<1x16xi32> to vector<16xi32>
    %add3A_85 = vector.broadcast %mul3A_29 : i32 to vector<16xi32>
    %add3A_86 = arith.addi %get3A_84, %add3A_85 : vector<16xi32>
    %swap3A_87 = arith.constant 0 : i32
    %swap3A_88 = arith.index_cast %swap3A_87 : i32 to index
    %swap3A_89 = arith.constant 64 : index
    %swap3A_90 = tpu.vector_load %arg5[%swap3A_88, %swap3A_89] {strides = array<i32>} : memref<3x128xi32, #tpu.memory_space<vmem>>, vector<1x16xi32>,
    %swap3A_91 = vector.shape_cast %swap3A_90 : vector<1x16xi32> to vector<16xi32>
    %swap3A_92 = vector.shape_cast %add3A_86 : vector<16xi32> to vector<1x16xi32>
    tpu.vector_store %arg5[%swap3A_88, %swap3A_89], %swap3A_92 {strides = array<i32>} : memref<3x128xi32, #tpu.memory_space<vmem>>, vector<1x16xi32>,
    %get3A_93 = arith.constant 0 : i32
    %get3A_94 = arith.index_cast %get3A_93 : i32 to index
    %get3A_95 = arith.constant 80 : index
    %get3A_96 = tpu.vector_load %arg5[%get3A_94, %get3A_95] {strides = array<i32>} : memref<3x128xi32, #tpu.memory_space<vmem>>, vector<1x16xi32>,
    %get3A_97 = vector.shape_cast %get3A_96 : vector<1x16xi32> to vector<16xi32>
    %add3A_98 = vector.broadcast %mul3A_29 : i32 to vector<16xi32>
    %add3A_99 = arith.addi %get3A_97, %add3A_98 : vector<16xi32>
    %swap3A_100 = arith.constant 0 : i32
    %swap3A_101 = arith.index_cast %swap3A_100 : i32 to index
    %swap3A_102 = arith.constant 80 : index
    %swap3A_103 = tpu.vector_load %arg5[%swap3A_101, %swap3A_102] {strides = array<i32>} : memref<3x128xi32, #tpu.memory_space<vmem>>, vector<1x16xi32>,
    %swap3A_104 = vector.shape_cast %swap3A_103 : vector<1x16xi32> to vector<16xi32>
    %swap3A_105 = vector.shape_cast %add3A_99 : vector<16xi32> to vector<1x16xi32>
    tpu.vector_store %arg5[%swap3A_101, %swap3A_102], %swap3A_105 {strides = array<i32>} : memref<3x128xi32, #tpu.memory_space<vmem>>, vector<1x16xi32>,
    %get3A_106 = arith.constant 0 : i32
    %get3A_107 = arith.index_cast %get3A_106 : i32 to index
    %get3A_108 = arith.constant 96 : index
    %get3A_109 = tpu.vector_load %arg5[%get3A_107, %get3A_108] {strides = array<i32>} : memref<3x128xi32, #tpu.memory_space<vmem>>, vector<1x16xi32>,
    %get3A_110 = vector.shape_cast %get3A_109 : vector<1x16xi32> to vector<16xi32>
    %add3A_111 = vector.broadcast %mul3A_29 : i32 to vector<16xi32>
    %add3A_112 = arith.addi %get3A_110, %add3A_111 : vector<16xi32>
    %swap3A_113 = arith.constant 0 : i32
    %swap3A_114 = arith.index_cast %swap3A_113 : i32 to index
    %swap3A_115 = arith.constant 96 : index
    %swap3A_116 = tpu.vector_load %arg5[%swap3A_114, %swap3A_115] {strides = array<i32>} : memref<3x128xi32, #tpu.memory_space<vmem>>, vector<1x16xi32>,
    %swap3A_117 = vector.shape_cast %swap3A_116 : vector<1x16xi32> to vector<16xi32>
    %swap3A_118 = vector.shape_cast %add3A_112 : vector<16xi32> to vector<1x16xi32>
    tpu.vector_store %arg5[%swap3A_114, %swap3A_115], %swap3A_118 {strides = array<i32>} : memref<3x128xi32, #tpu.memory_space<vmem>>, vector<1x16xi32>,
    %get3A_119 = arith.constant 0 : i32
    %get3A_120 = arith.index_cast %get3A_119 : i32 to index
    %get3A_121 = arith.constant 112 : index
    %get3A_122 = tpu.vector_load %arg5[%get3A_120, %get3A_121] {strides = array<i32>} : memref<3x128xi32, #tpu.memory_space<vmem>>, vector<1x16xi32>,
    %get3A_123 = vector.shape_cast %get3A_122 : vector<1x16xi32> to vector<16xi32>
    %add3A_124 = vector.broadcast %mul3A_29 : i32 to vector<16xi32>
    %add3A_125 = arith.addi %get3A_123, %add3A_124 : vector<16xi32>
    %swap3A_126 = arith.constant 0 : i32
    %swap3A_127 = arith.index_cast %swap3A_126 : i32 to index
    %swap3A_128 = arith.constant 112 : index
    %swap3A_129 = tpu.vector_load %arg5[%swap3A_127, %swap3A_128] {strides = array<i32>} : memref<3x128xi32, #tpu.memory_space<vmem>>, vector<1x16xi32>,
    %swap3A_130 = vector.shape_cast %swap3A_129 : vector<1x16xi32> to vector<16xi32>
    %swap3A_131 = vector.shape_cast %add3A_125 : vector<16xi32> to vector<1x16xi32>
    tpu.vector_store %arg5[%swap3A_127, %swap3A_128], %swap3A_131 {strides = array<i32>} : memref<3x128xi32, #tpu.memory_space<vmem>>, vector<1x16xi32>,
    %get3A_132 = arith.constant 1 : i32
    %get3A_133 = arith.index_cast %get3A_132 : i32 to index
    %get3A_134 = arith.constant 0 : index
    %get3A_135 = tpu.vector_load %arg5[%get3A_133, %get3A_134] {strides = array<i32>} : memref<3x128xi32, #tpu.memory_space<vmem>>, vector<1x16xi32>,
    %get3A_136 = vector.shape_cast %get3A_135 : vector<1x16xi32> to vector<16xi32>
    %add3A_137 = vector.broadcast %mul3A_29 : i32 to vector<16xi32>
    %add3A_138 = arith.addi %get3A_136, %add3A_137 : vector<16xi32>
    %swap3A_139 = arith.constant 1 : i32
    %swap3A_140 = arith.index_cast %swap3A_139 : i32 to index
    %swap3A_141 = arith.constant 0 : index
    %swap3A_142 = tpu.vector_load %arg5[%swap3A_140, %swap3A_141] {strides = array<i32>} : memref<3x128xi32, #tpu.memory_space<vmem>>, vector<1x16xi32>,
    %swap3A_143 = vector.shape_cast %swap3A_142 : vector<1x16xi32> to vector<16xi32>
    %swap3A_144 = vector.shape_cast %add3A_138 : vector<16xi32> to vector<1x16xi32>
    tpu.vector_store %arg5[%swap3A_140, %swap3A_141], %swap3A_144 {strides = array<i32>} : memref<3x128xi32, #tpu.memory_space<vmem>>, vector<1x16xi32>,
    %get3A_145 = arith.constant 1 : i32
    %get3A_146 = arith.index_cast %get3A_145 : i32 to index
    %get3A_147 = arith.constant 16 : index
    %get3A_148 = tpu.vector_load %arg5[%get3A_146, %get3A_147] {strides = array<i32>} : memref<3x128xi32, #tpu.memory_space<vmem>>, vector<1x16xi32>,
    %get3A_149 = vector.shape_cast %get3A_148 : vector<1x16xi32> to vector<16xi32>
    %add3A_150 = vector.broadcast %mul3A_29 : i32 to vector<16xi32>
    %add3A_151 = arith.addi %get3A_149, %add3A_150 : vector<16xi32>
    %swap3A_152 = arith.constant 1 : i32
    %swap3A_153 = arith.index_cast %swap3A_152 : i32 to index
    %swap3A_154 = arith.constant 16 : index
    %swap3A_155 = tpu.vector_load %arg5[%swap3A_153, %swap3A_154] {strides = array<i32>} : memref<3x128xi32, #tpu.memory_space<vmem>>, vector<1x16xi32>,
    %swap3A_156 = vector.shape_cast %swap3A_155 : vector<1x16xi32> to vector<16xi32>
    %swap3A_157 = vector.shape_cast %add3A_151 : vector<16xi32> to vector<1x16xi32>
    tpu.vector_store %arg5[%swap3A_153, %swap3A_154], %swap3A_157 {strides = array<i32>} : memref<3x128xi32, #tpu.memory_space<vmem>>, vector<1x16xi32>,
    %get3A_158 = arith.constant 1 : i32
    %get3A_159 = arith.index_cast %get3A_158 : i32 to index
    %get3A_160 = arith.constant 32 : index
    %get3A_161 = tpu.vector_load %arg5[%get3A_159, %get3A_160] {strides = array<i32>} : memref<3x128xi32, #tpu.memory_space<vmem>>, vector<1x16xi32>,
    %get3A_162 = vector.shape_cast %get3A_161 : vector<1x16xi32> to vector<16xi32>
    %add3A_163 = vector.broadcast %mul3A_29 : i32 to vector<16xi32>
    %add3A_164 = arith.addi %get3A_162, %add3A_163 : vector<16xi32>
    %swap3A_165 = arith.constant 1 : i32
    %swap3A_166 = arith.index_cast %swap3A_165 : i32 to index
    %swap3A_167 = arith.constant 32 : index
    %swap3A_168 = tpu.vector_load %arg5[%swap3A_166, %swap3A_167] {strides = array<i32>} : memref<3x128xi32, #tpu.memory_space<vmem>>, vector<1x16xi32>,
    %swap3A_169 = vector.shape_cast %swap3A_168 : vector<1x16xi32> to vector<16xi32>
    %swap3A_170 = vector.shape_cast %add3A_164 : vector<16xi32> to vector<1x16xi32>
    tpu.vector_store %arg5[%swap3A_166, %swap3A_167], %swap3A_170 {strides = array<i32>} : memref<3x128xi32, #tpu.memory_space<vmem>>, vector<1x16xi32>,
    %get3A_171 = arith.constant 1 : i32
    %get3A_172 = arith.index_cast %get3A_171 : i32 to index
    %get3A_173 = arith.constant 48 : index
    %get3A_174 = tpu.vector_load %arg5[%get3A_172, %get3A_173] {strides = array<i32>} : memref<3x128xi32, #tpu.memory_space<vmem>>, vector<1x16xi32>,
    %get3A_175 = vector.shape_cast %get3A_174 : vector<1x16xi32> to vector<16xi32>
    %add3A_176 = vector.broadcast %mul3A_29 : i32 to vector<16xi32>
    %add3A_177 = arith.addi %get3A_175, %add3A_176 : vector<16xi32>
    %swap3A_178 = arith.constant 1 : i32
    %swap3A_179 = arith.index_cast %swap3A_178 : i32 to index
    %swap3A_180 = arith.constant 48 : index
    %swap3A_181 = tpu.vector_load %arg5[%swap3A_179, %swap3A_180] {strides = array<i32>} : memref<3x128xi32, #tpu.memory_space<vmem>>, vector<1x16xi32>,
    %swap3A_182 = vector.shape_cast %swap3A_181 : vector<1x16xi32> to vector<16xi32>
    %swap3A_183 = vector.shape_cast %add3A_177 : vector<16xi32> to vector<1x16xi32>
    tpu.vector_store %arg5[%swap3A_179, %swap3A_180], %swap3A_183 {strides = array<i32>} : memref<3x128xi32, #tpu.memory_space<vmem>>, vector<1x16xi32>,
    %get3A_184 = arith.constant 1 : i32
    %get3A_185 = arith.index_cast %get3A_184 : i32 to index
    %get3A_186 = arith.constant 64 : index
    %get3A_187 = tpu.vector_load %arg5[%get3A_185, %get3A_186] {strides = array<i32>} : memref<3x128xi32, #tpu.memory_space<vmem>>, vector<1x16xi32>,
    %get3A_188 = vector.shape_cast %get3A_187 : vector<1x16xi32> to vector<16xi32>
    %add3A_189 = vector.broadcast %mul3A_29 : i32 to vector<16xi32>
    %add3A_190 = arith.addi %get3A_188, %add3A_189 : vector<16xi32>
    %swap3A_191 = arith.constant 1 : i32
    %swap3A_192 = arith.index_cast %swap3A_191 : i32 to index
    %swap3A_193 = arith.constant 64 : index
    %swap3A_194 = tpu.vector_load %arg5[%swap3A_192, %swap3A_193] {strides = array<i32>} : memref<3x128xi32, #tpu.memory_space<vmem>>, vector<1x16xi32>,
    %swap3A_195 = vector.shape_cast %swap3A_194 : vector<1x16xi32> to vector<16xi32>
    %swap3A_196 = vector.shape_cast %add3A_190 : vector<16xi32> to vector<1x16xi32>
    tpu.vector_store %arg5[%swap3A_192, %swap3A_193], %swap3A_196 {strides = array<i32>} : memref<3x128xi32, #tpu.memory_space<vmem>>, vector<1x16xi32>,
    %get3A_197 = arith.constant 1 : i32
    %get3A_198 = arith.index_cast %get3A_197 : i32 to index
    %get3A_199 = arith.constant 80 : index
    %get3A_200 = tpu.vector_load %arg5[%get3A_198, %get3A_199] {strides = array<i32>} : memref<3x128xi32, #tpu.memory_space<vmem>>, vector<1x16xi32>,
    %get3A_201 = vector.shape_cast %get3A_200 : vector<1x16xi32> to vector<16xi32>
    %add3A_202 = vector.broadcast %mul3A_29 : i32 to vector<16xi32>
    %add3A_203 = arith.addi %get3A_201, %add3A_202 : vector<16xi32>
    %swap3A_204 = arith.constant 1 : i32
    %swap3A_205 = arith.index_cast %swap3A_204 : i32 to index
    %swap3A_206 = arith.constant 80 : index
    %swap3A_207 = tpu.vector_load %arg5[%swap3A_205, %swap3A_206] {strides = array<i32>} : memref<3x128xi32, #tpu.memory_space<vmem>>, vector<1x16xi32>,
    %swap3A_208 = vector.shape_cast %swap3A_207 : vector<1x16xi32> to vector<16xi32>
    %swap3A_209 = vector.shape_cast %add3A_203 : vector<16xi32> to vector<1x16xi32>
    tpu.vector_store %arg5[%swap3A_205, %swap3A_206], %swap3A_209 {strides = array<i32>} : memref<3x128xi32, #tpu.memory_space<vmem>>, vector<1x16xi32>,
    %get3A_210 = arith.constant 1 : i32
    %get3A_211 = arith.index_cast %get3A_210 : i32 to index
    %get3A_212 = arith.constant 96 : index
    %get3A_213 = tpu.vector_load %arg5[%get3A_211, %get3A_212] {strides = array<i32>} : memref<3x128xi32, #tpu.memory_space<vmem>>, vector<1x16xi32>,
    %get3A_214 = vector.shape_cast %get3A_213 : vector<1x16xi32> to vector<16xi32>
    %add3A_215 = vector.broadcast %mul3A_29 : i32 to vector<16xi32>
    %add3A_216 = arith.addi %get3A_214, %add3A_215 : vector<16xi32>
    %swap3A_217 = arith.constant 1 : i32
    %swap3A_218 = arith.index_cast %swap3A_217 : i32 to index
    %swap3A_219 = arith.constant 96 : index
    %swap3A_220 = tpu.vector_load %arg5[%swap3A_218, %swap3A_219] {strides = array<i32>} : memref<3x128xi32, #tpu.memory_space<vmem>>, vector<1x16xi32>,
    %swap3A_221 = vector.shape_cast %swap3A_220 : vector<1x16xi32> to vector<16xi32>
    %swap3A_222 = vector.shape_cast %add3A_216 : vector<16xi32> to vector<1x16xi32>
    tpu.vector_store %arg5[%swap3A_218, %swap3A_219], %swap3A_222 {strides = array<i32>} : memref<3x128xi32, #tpu.memory_space<vmem>>, vector<1x16xi32>,
    %get3A_223 = arith.constant 1 : i32
    %get3A_224 = arith.index_cast %get3A_223 : i32 to index
    %get3A_225 = arith.constant 112 : index
    %get3A_226 = tpu.vector_load %arg5[%get3A_224, %get3A_225] {strides = array<i32>} : memref<3x128xi32, #tpu.memory_space<vmem>>, vector<1x16xi32>,
    %get3A_227 = vector.shape_cast %get3A_226 : vector<1x16xi32> to vector<16xi32>
    %add3A_228 = vector.broadcast %mul3A_29 : i32 to vector<16xi32>
    %add3A_229 = arith.addi %get3A_227, %add3A_228 : vector<16xi32>
    %swap3A_230 = arith.constant 1 : i32
    %swap3A_231 = arith.index_cast %swap3A_230 : i32 to index
    %swap3A_232 = arith.constant 112 : index
    %swap3A_233 = tpu.vector_load %arg5[%swap3A_231, %swap3A_232] {strides = array<i32>} : memref<3x128xi32, #tpu.memory_space<vmem>>, vector<1x16xi32>,
    %swap3A_234 = vector.shape_cast %swap3A_233 : vector<1x16xi32> to vector<16xi32>
    %swap3A_235 = vector.shape_cast %add3A_229 : vector<16xi32> to vector<1x16xi32>
    tpu.vector_store %arg5[%swap3A_231, %swap3A_232], %swap3A_235 {strides = array<i32>} : memref<3x128xi32, #tpu.memory_space<vmem>>, vector<1x16xi32>,
    %get3A_236 = arith.constant 2 : i32
    %get3A_237 = arith.index_cast %get3A_236 : i32 to index
    %get3A_238 = arith.constant 0 : index
    %get3A_239 = tpu.vector_load %arg5[%get3A_237, %get3A_238] {strides = array<i32>} : memref<3x128xi32, #tpu.memory_space<vmem>>, vector<1x16xi32>,
    %get3A_240 = vector.shape_cast %get3A_239 : vector<1x16xi32> to vector<16xi32>
    %add3A_241 = vector.broadcast %mul3A_29 : i32 to vector<16xi32>
    %add3A_242 = arith.addi %get3A_240, %add3A_241 : vector<16xi32>
    %swap3A_243 = arith.constant 2 : i32
    %swap3A_244 = arith.index_cast %swap3A_243 : i32 to index
    %swap3A_245 = arith.constant 0 : index
    %swap3A_246 = tpu.vector_load %arg5[%swap3A_244, %swap3A_245] {strides = array<i32>} : memref<3x128xi32, #tpu.memory_space<vmem>>, vector<1x16xi32>,
    %swap3A_247 = vector.shape_cast %swap3A_246 : vector<1x16xi32> to vector<16xi32>
    %swap3A_248 = vector.shape_cast %add3A_242 : vector<16xi32> to vector<1x16xi32>
    tpu.vector_store %arg5[%swap3A_244, %swap3A_245], %swap3A_248 {strides = array<i32>} : memref<3x128xi32, #tpu.memory_space<vmem>>, vector<1x16xi32>,
    %get3A_249 = arith.constant 2 : i32
    %get3A_250 = arith.index_cast %get3A_249 : i32 to index
    %get3A_251 = arith.constant 16 : index
    %get3A_252 = tpu.vector_load %arg5[%get3A_250, %get3A_251] {strides = array<i32>} : memref<3x128xi32, #tpu.memory_space<vmem>>, vector<1x16xi32>,
    %get3A_253 = vector.shape_cast %get3A_252 : vector<1x16xi32> to vector<16xi32>
    %add3A_254 = vector.broadcast %mul3A_29 : i32 to vector<16xi32>
    %add3A_255 = arith.addi %get3A_253, %add3A_254 : vector<16xi32>
    %swap3A_256 = arith.constant 2 : i32
    %swap3A_257 = arith.index_cast %swap3A_256 : i32 to index
    %swap3A_258 = arith.constant 16 : index
    %swap3A_259 = tpu.vector_load %arg5[%swap3A_257, %swap3A_258] {strides = array<i32>} : memref<3x128xi32, #tpu.memory_space<vmem>>, vector<1x16xi32>,
    %swap3A_260 = vector.shape_cast %swap3A_259 : vector<1x16xi32> to vector<16xi32>
    %swap3A_261 = vector.shape_cast %add3A_255 : vector<16xi32> to vector<1x16xi32>
    tpu.vector_store %arg5[%swap3A_257, %swap3A_258], %swap3A_261 {strides = array<i32>} : memref<3x128xi32, #tpu.memory_space<vmem>>, vector<1x16xi32>,
    %get3A_262 = arith.constant 2 : i32
    %get3A_263 = arith.index_cast %get3A_262 : i32 to index
    %get3A_264 = arith.constant 32 : index
    %get3A_265 = tpu.vector_load %arg5[%get3A_263, %get3A_264] {strides = array<i32>} : memref<3x128xi32, #tpu.memory_space<vmem>>, vector<1x16xi32>,
    %get3A_266 = vector.shape_cast %get3A_265 : vector<1x16xi32> to vector<16xi32>
    %add3A_267 = vector.broadcast %mul3A_29 : i32 to vector<16xi32>
    %add3A_268 = arith.addi %get3A_266, %add3A_267 : vector<16xi32>
    %swap3A_269 = arith.constant 2 : i32
    %swap3A_270 = arith.index_cast %swap3A_269 : i32 to index
    %swap3A_271 = arith.constant 32 : index
    %swap3A_272 = tpu.vector_load %arg5[%swap3A_270, %swap3A_271] {strides = array<i32>} : memref<3x128xi32, #tpu.memory_space<vmem>>, vector<1x16xi32>,
    %swap3A_273 = vector.shape_cast %swap3A_272 : vector<1x16xi32> to vector<16xi32>
    %swap3A_274 = vector.shape_cast %add3A_268 : vector<16xi32> to vector<1x16xi32>
    tpu.vector_store %arg5[%swap3A_270, %swap3A_271], %swap3A_274 {strides = array<i32>} : memref<3x128xi32, #tpu.memory_space<vmem>>, vector<1x16xi32>,
    %get3A_275 = arith.constant 2 : i32
    %get3A_276 = arith.index_cast %get3A_275 : i32 to index
    %get3A_277 = arith.constant 48 : index
    %get3A_278 = tpu.vector_load %arg5[%get3A_276, %get3A_277] {strides = array<i32>} : memref<3x128xi32, #tpu.memory_space<vmem>>, vector<1x16xi32>,
    %get3A_279 = vector.shape_cast %get3A_278 : vector<1x16xi32> to vector<16xi32>
    %add3A_280 = vector.broadcast %mul3A_29 : i32 to vector<16xi32>
    %add3A_281 = arith.addi %get3A_279, %add3A_280 : vector<16xi32>
    %swap3A_282 = arith.constant 2 : i32
    %swap3A_283 = arith.index_cast %swap3A_282 : i32 to index
    %swap3A_284 = arith.constant 48 : index
    %swap3A_285 = tpu.vector_load %arg5[%swap3A_283, %swap3A_284] {strides = array<i32>} : memref<3x128xi32, #tpu.memory_space<vmem>>, vector<1x16xi32>,
    %swap3A_286 = vector.shape_cast %swap3A_285 : vector<1x16xi32> to vector<16xi32>
    %swap3A_287 = vector.shape_cast %add3A_281 : vector<16xi32> to vector<1x16xi32>
    tpu.vector_store %arg5[%swap3A_283, %swap3A_284], %swap3A_287 {strides = array<i32>} : memref<3x128xi32, #tpu.memory_space<vmem>>, vector<1x16xi32>,
    %get3A_288 = arith.constant 2 : i32
    %get3A_289 = arith.index_cast %get3A_288 : i32 to index
    %get3A_290 = arith.constant 64 : index
    %get3A_291 = tpu.vector_load %arg5[%get3A_289, %get3A_290] {strides = array<i32>} : memref<3x128xi32, #tpu.memory_space<vmem>>, vector<1x16xi32>,
    %get3A_292 = vector.shape_cast %get3A_291 : vector<1x16xi32> to vector<16xi32>
    %add3A_293 = vector.broadcast %mul3A_29 : i32 to vector<16xi32>
    %add3A_294 = arith.addi %get3A_292, %add3A_293 : vector<16xi32>
    %swap3A_295 = arith.constant 2 : i32
    %swap3A_296 = arith.index_cast %swap3A_295 : i32 to index
    %swap3A_297 = arith.constant 64 : index
    %swap3A_298 = tpu.vector_load %arg5[%swap3A_296, %swap3A_297] {strides = array<i32>} : memref<3x128xi32, #tpu.memory_space<vmem>>, vector<1x16xi32>,
    %swap3A_299 = vector.shape_cast %swap3A_298 : vector<1x16xi32> to vector<16xi32>
    %swap3A_300 = vector.shape_cast %add3A_294 : vector<16xi32> to vector<1x16xi32>
    tpu.vector_store %arg5[%swap3A_296, %swap3A_297], %swap3A_300 {strides = array<i32>} : memref<3x128xi32, #tpu.memory_space<vmem>>, vector<1x16xi32>,
    %get3A_301 = arith.constant 2 : i32
    %get3A_302 = arith.index_cast %get3A_301 : i32 to index
    %get3A_303 = arith.constant 80 : index
    %get3A_304 = tpu.vector_load %arg5[%get3A_302, %get3A_303] {strides = array<i32>} : memref<3x128xi32, #tpu.memory_space<vmem>>, vector<1x16xi32>,
    %get3A_305 = vector.shape_cast %get3A_304 : vector<1x16xi32> to vector<16xi32>
    %add3A_306 = vector.broadcast %mul3A_29 : i32 to vector<16xi32>
    %add3A_307 = arith.addi %get3A_305, %add3A_306 : vector<16xi32>
    %swap3A_308 = arith.constant 2 : i32
    %swap3A_309 = arith.index_cast %swap3A_308 : i32 to index
    %swap3A_310 = arith.constant 80 : index
    %swap3A_311 = tpu.vector_load %arg5[%swap3A_309, %swap3A_310] {strides = array<i32>} : memref<3x128xi32, #tpu.memory_space<vmem>>, vector<1x16xi32>,
    %swap3A_312 = vector.shape_cast %swap3A_311 : vector<1x16xi32> to vector<16xi32>
    %swap3A_313 = vector.shape_cast %add3A_307 : vector<16xi32> to vector<1x16xi32>
    tpu.vector_store %arg5[%swap3A_309, %swap3A_310], %swap3A_313 {strides = array<i32>} : memref<3x128xi32, #tpu.memory_space<vmem>>, vector<1x16xi32>,
    %get3A_314 = arith.constant 2 : i32
    %get3A_315 = arith.index_cast %get3A_314 : i32 to index
    %get3A_316 = arith.constant 96 : index
    %get3A_317 = tpu.vector_load %arg5[%get3A_315, %get3A_316] {strides = array<i32>} : memref<3x128xi32, #tpu.memory_space<vmem>>, vector<1x16xi32>,
    %get3A_318 = vector.shape_cast %get3A_317 : vector<1x16xi32> to vector<16xi32>
    %add3A_319 = vector.broadcast %mul3A_29 : i32 to vector<16xi32>
    %add3A_320 = arith.addi %get3A_318, %add3A_319 : vector<16xi32>
    %swap3A_321 = arith.constant 2 : i32
    %swap3A_322 = arith.index_cast %swap3A_321 : i32 to index
    %swap3A_323 = arith.constant 96 : index
    %swap3A_324 = tpu.vector_load %arg5[%swap3A_322, %swap3A_323] {strides = array<i32>} : memref<3x128xi32, #tpu.memory_space<vmem>>, vector<1x16xi32>,
    %swap3A_325 = vector.shape_cast %swap3A_324 : vector<1x16xi32> to vector<16xi32>
    %swap3A_326 = vector.shape_cast %add3A_320 : vector<16xi32> to vector<1x16xi32>
    tpu.vector_store %arg5[%swap3A_322, %swap3A_323], %swap3A_326 {strides = array<i32>} : memref<3x128xi32, #tpu.memory_space<vmem>>, vector<1x16xi32>,
    %get3A_327 = arith.constant 2 : i32
    %get3A_328 = arith.index_cast %get3A_327 : i32 to index
    %get3A_329 = arith.constant 112 : index
    %get3A_330 = tpu.vector_load %arg5[%get3A_328, %get3A_329] {strides = array<i32>} : memref<3x128xi32, #tpu.memory_space<vmem>>, vector<1x16xi32>,
    %get3A_331 = vector.shape_cast %get3A_330 : vector<1x16xi32> to vector<16xi32>
    %add3A_332 = vector.broadcast %mul3A_29 : i32 to vector<16xi32>
    %add3A_333 = arith.addi %get3A_331, %add3A_332 : vector<16xi32>
    %swap3A_334 = arith.constant 2 : i32
    %swap3A_335 = arith.index_cast %swap3A_334 : i32 to index
    %swap3A_336 = arith.constant 112 : index
    %swap3A_337 = tpu.vector_load %arg5[%swap3A_335, %swap3A_336] {strides = array<i32>} : memref<3x128xi32, #tpu.memory_space<vmem>>, vector<1x16xi32>,
    %swap3A_338 = vector.shape_cast %swap3A_337 : vector<1x16xi32> to vector<16xi32>
    %swap3A_339 = vector.shape_cast %add3A_333 : vector<16xi32> to vector<1x16xi32>
    tpu.vector_store %arg5[%swap3A_335, %swap3A_336], %swap3A_339 {strides = array<i32>} : memref<3x128xi32, #tpu.memory_space<vmem>>, vector<1x16xi32>,
    %broadcast_in_dim3A = arith.constant 0.000000e+00 : f32
    %broadcast_in_dim3A_340 = vector.broadcast %broadcast_in_dim3A : f32 to vector<16xf32>
    %swap3A_341 = arith.constant 0 : i32
    %swap3A_342 = arith.index_cast %swap3A_341 : i32 to index
    %swap3A_343 = arith.constant 0 : index
    %swap3A_344 = tpu.vector_load %arg9[%swap3A_342, %swap3A_343] {strides = array<i32>} : memref<16x128xf32, #tpu.memory_space<vmem>>, vector<1x16xf32>,
    %swap3A_345 = vector.shape_cast %swap3A_344 : vector<1x16xf32> to vector<16xf32>
    %swap3A_346 = vector.shape_cast %broadcast_in_dim3A_340 : vector<16xf32> to vector<1x16xf32>
    tpu.vector_store %arg9[%swap3A_342, %swap3A_343], %swap3A_346 {strides = array<i32>} : memref<16x128xf32, #tpu.memory_space<vmem>>, vector<1x16xf32>,
    %swap3A_347 = arith.constant 0 : i32
    %swap3A_348 = arith.index_cast %swap3A_347 : i32 to index
    %swap3A_349 = arith.constant 16 : index
    %swap3A_350 = tpu.vector_load %arg9[%swap3A_348, %swap3A_349] {strides = array<i32>} : memref<16x128xf32, #tpu.memory_space<vmem>>, vector<1x16xf32>,
    %swap3A_351 = vector.shape_cast %swap3A_350 : vector<1x16xf32> to vector<16xf32>
    %swap3A_352 = vector.shape_cast %broadcast_in_dim3A_340 : vector<16xf32> to vector<1x16xf32>
    tpu.vector_store %arg9[%swap3A_348, %swap3A_349], %swap3A_352 {strides = array<i32>} : memref<16x128xf32, #tpu.memory_space<vmem>>, vector<1x16xf32>,
    %swap3A_353 = arith.constant 0 : i32
    %swap3A_354 = arith.index_cast %swap3A_353 : i32 to index
    %swap3A_355 = arith.constant 32 : index
    %swap3A_356 = tpu.vector_load %arg9[%swap3A_354, %swap3A_355] {strides = array<i32>} : memref<16x128xf32, #tpu.memory_space<vmem>>, vector<1x16xf32>,
    %swap3A_357 = vector.shape_cast %swap3A_356 : vector<1x16xf32> to vector<16xf32>
    %swap3A_358 = vector.shape_cast %broadcast_in_dim3A_340 : vector<16xf32> to vector<1x16xf32>
    tpu.vector_store %arg9[%swap3A_354, %swap3A_355], %swap3A_358 {strides = array<i32>} : memref<16x128xf32, #tpu.memory_space<vmem>>, vector<1x16xf32>,
    %swap3A_359 = arith.constant 0 : i32
    %swap3A_360 = arith.index_cast %swap3A_359 : i32 to index
    %swap3A_361 = arith.constant 48 : index
    %swap3A_362 = tpu.vector_load %arg9[%swap3A_360, %swap3A_361] {strides = array<i32>} : memref<16x128xf32, #tpu.memory_space<vmem>>, vector<1x16xf32>,
    %swap3A_363 = vector.shape_cast %swap3A_362 : vector<1x16xf32> to vector<16xf32>
    %swap3A_364 = vector.shape_cast %broadcast_in_dim3A_340 : vector<16xf32> to vector<1x16xf32>
    tpu.vector_store %arg9[%swap3A_360, %swap3A_361], %swap3A_364 {strides = array<i32>} : memref<16x128xf32, #tpu.memory_space<vmem>>, vector<1x16xf32>,
    %swap3A_365 = arith.constant 0 : i32
    %swap3A_366 = arith.index_cast %swap3A_365 : i32 to index
    %swap3A_367 = arith.constant 64 : index
    %swap3A_368 = tpu.vector_load %arg9[%swap3A_366, %swap3A_367] {strides = array<i32>} : memref<16x128xf32, #tpu.memory_space<vmem>>, vector<1x16xf32>,
    %swap3A_369 = vector.shape_cast %swap3A_368 : vector<1x16xf32> to vector<16xf32>
    %swap3A_370 = vector.shape_cast %broadcast_in_dim3A_340 : vector<16xf32> to vector<1x16xf32>
    tpu.vector_store %arg9[%swap3A_366, %swap3A_367], %swap3A_370 {strides = array<i32>} : memref<16x128xf32, #tpu.memory_space<vmem>>, vector<1x16xf32>,
    %swap3A_371 = arith.constant 0 : i32
    %swap3A_372 = arith.index_cast %swap3A_371 : i32 to index
    %swap3A_373 = arith.constant 80 : index
    %swap3A_374 = tpu.vector_load %arg9[%swap3A_372, %swap3A_373] {strides = array<i32>} : memref<16x128xf32, #tpu.memory_space<vmem>>, vector<1x16xf32>,
    %swap3A_375 = vector.shape_cast %swap3A_374 : vector<1x16xf32> to vector<16xf32>
    %swap3A_376 = vector.shape_cast %broadcast_in_dim3A_340 : vector<16xf32> to vector<1x16xf32>
    tpu.vector_store %arg9[%swap3A_372, %swap3A_373], %swap3A_376 {strides = array<i32>} : memref<16x128xf32, #tpu.memory_space<vmem>>, vector<1x16xf32>,
    %swap3A_377 = arith.constant 0 : i32
    %swap3A_378 = arith.index_cast %swap3A_377 : i32 to index
    %swap3A_379 = arith.constant 96 : index
    %swap3A_380 = tpu.vector_load %arg9[%swap3A_378, %swap3A_379] {strides = array<i32>} : memref<16x128xf32, #tpu.memory_space<vmem>>, vector<1x16xf32>,
    %swap3A_381 = vector.shape_cast %swap3A_380 : vector<1x16xf32> to vector<16xf32>
    %swap3A_382 = vector.shape_cast %broadcast_in_dim3A_340 : vector<16xf32> to vector<1x16xf32>
    tpu.vector_store %arg9[%swap3A_378, %swap3A_379], %swap3A_382 {strides = array<i32>} : memref<16x128xf32, #tpu.memory_space<vmem>>, vector<1x16xf32>,
    %swap3A_383 = arith.constant 0 : i32
    %swap3A_384 = arith.index_cast %swap3A_383 : i32 to index
    %swap3A_385 = arith.constant 112 : index
    %swap3A_386 = tpu.vector_load %arg9[%swap3A_384, %swap3A_385] {strides = array<i32>} : memref<16x128xf32, #tpu.memory_space<vmem>>, vector<1x16xf32>,
    %swap3A_387 = vector.shape_cast %swap3A_386 : vector<1x16xf32> to vector<16xf32>
    %swap3A_388 = vector.shape_cast %broadcast_in_dim3A_340 : vector<16xf32> to vector<1x16xf32>
    tpu.vector_store %arg9[%swap3A_384, %swap3A_385], %swap3A_388 {strides = array<i32>} : memref<16x128xf32, #tpu.memory_space<vmem>>, vector<1x16xf32>,
    %swap3A_389 = arith.constant 1 : i32
    %swap3A_390 = arith.index_cast %swap3A_389 : i32 to index
    %swap3A_391 = arith.constant 0 : index
    %swap3A_392 = tpu.vector_load %arg9[%swap3A_390, %swap3A_391] {strides = array<i32>} : memref<16x128xf32, #tpu.memory_space<vmem>>, vector<1x16xf32>,
    %swap3A_393 = vector.shape_cast %swap3A_392 : vector<1x16xf32> to vector<16xf32>
    %swap3A_394 = vector.shape_cast %broadcast_in_dim3A_340 : vector<16xf32> to vector<1x16xf32>
    tpu.vector_store %arg9[%swap3A_390, %swap3A_391], %swap3A_394 {strides = array<i32>} : memref<16x128xf32, #tpu.memory_space<vmem>>, vector<1x16xf32>,
    %swap3A_395 = arith.constant 1 : i32
    %swap3A_396 = arith.index_cast %swap3A_395 : i32 to index
    %swap3A_397 = arith.constant 16 : index
    %swap3A_398 = tpu.vector_load %arg9[%swap3A_396, %swap3A_397] {strides = array<i32>} : memref<16x128xf32, #tpu.memory_space<vmem>>, vector<1x16xf32>,
    %swap3A_399 = vector.shape_cast %swap3A_398 : vector<1x16xf32> to vector<16xf32>
    %swap3A_400 = vector.shape_cast %broadcast_in_dim3A_340 : vector<16xf32> to vector<1x16xf32>
    tpu.vector_store %arg9[%swap3A_396, %swap3A_397], %swap3A_400 {strides = array<i32>} : memref<16x128xf32, #tpu.memory_space<vmem>>, vector<1x16xf32>,
    %swap3A_401 = arith.constant 1 : i32
    %swap3A_402 = arith.index_cast %swap3A_401 : i32 to index
    %swap3A_403 = arith.constant 32 : index
    %swap3A_404 = tpu.vector_load %arg9[%swap3A_402, %swap3A_403] {strides = array<i32>} : memref<16x128xf32, #tpu.memory_space<vmem>>, vector<1x16xf32>,
    %swap3A_405 = vector.shape_cast %swap3A_404 : vector<1x16xf32> to vector<16xf32>
    %swap3A_406 = vector.shape_cast %broadcast_in_dim3A_340 : vector<16xf32> to vector<1x16xf32>
    tpu.vector_store %arg9[%swap3A_402, %swap3A_403], %swap3A_406 {strides = array<i32>} : memref<16x128xf32, #tpu.memory_space<vmem>>, vector<1x16xf32>,
    %swap3A_407 = arith.constant 1 : i32
    %swap3A_408 = arith.index_cast %swap3A_407 : i32 to index
    %swap3A_409 = arith.constant 48 : index
    %swap3A_410 = tpu.vector_load %arg9[%swap3A_408, %swap3A_409] {strides = array<i32>} : memref<16x128xf32, #tpu.memory_space<vmem>>, vector<1x16xf32>,
    %swap3A_411 = vector.shape_cast %swap3A_410 : vector<1x16xf32> to vector<16xf32>
    %swap3A_412 = vector.shape_cast %broadcast_in_dim3A_340 : vector<16xf32> to vector<1x16xf32>
    tpu.vector_store %arg9[%swap3A_408, %swap3A_409], %swap3A_412 {strides = array<i32>} : memref<16x128xf32, #tpu.memory_space<vmem>>, vector<1x16xf32>,
    %swap3A_413 = arith.constant 1 : i32
    %swap3A_414 = arith.index_cast %swap3A_413 : i32 to index
    %swap3A_415 = arith.constant 64 : index
    %swap3A_416 = tpu.vector_load %arg9[%swap3A_414, %swap3A_415] {strides = array<i32>} : memref<16x128xf32, #tpu.memory_space<vmem>>, vector<1x16xf32>,
    %swap3A_417 = vector.shape_cast %swap3A_416 : vector<1x16xf32> to vector<16xf32>
    %swap3A_418 = vector.shape_cast %broadcast_in_dim3A_340 : vector<16xf32> to vector<1x16xf32>
    tpu.vector_store %arg9[%swap3A_414, %swap3A_415], %swap3A_418 {strides = array<i32>} : memref<16x128xf32, #tpu.memory_space<vmem>>, vector<1x16xf32>,
    %swap3A_419 = arith.constant 1 : i32
    %swap3A_420 = arith.index_cast %swap3A_419 : i32 to index
    %swap3A_421 = arith.constant 80 : index
    %swap3A_422 = tpu.vector_load %arg9[%swap3A_420, %swap3A_421] {strides = array<i32>} : memref<16x128xf32, #tpu.memory_space<vmem>>, vector<1x16xf32>,
    %swap3A_423 = vector.shape_cast %swap3A_422 : vector<1x16xf32> to vector<16xf32>
    %swap3A_424 = vector.shape_cast %broadcast_in_dim3A_340 : vector<16xf32> to vector<1x16xf32>
    tpu.vector_store %arg9[%swap3A_420, %swap3A_421], %swap3A_424 {strides = array<i32>} : memref<16x128xf32, #tpu.memory_space<vmem>>, vector<1x16xf32>,
    %swap3A_425 = arith.constant 1 : i32
    %swap3A_426 = arith.index_cast %swap3A_425 : i32 to index
    %swap3A_427 = arith.constant 96 : index
    %swap3A_428 = tpu.vector_load %arg9[%swap3A_426, %swap3A_427] {strides = array<i32>} : memref<16x128xf32, #tpu.memory_space<vmem>>, vector<1x16xf32>,
    %swap3A_429 = vector.shape_cast %swap3A_428 : vector<1x16xf32> to vector<16xf32>
    %swap3A_430 = vector.shape_cast %broadcast_in_dim3A_340 : vector<16xf32> to vector<1x16xf32>
    tpu.vector_store %arg9[%swap3A_426, %swap3A_427], %swap3A_430 {strides = array<i32>} : memref<16x128xf32, #tpu.memory_space<vmem>>, vector<1x16xf32>,
    %swap3A_431 = arith.constant 1 : i32
    %swap3A_432 = arith.index_cast %swap3A_431 : i32 to index
    %swap3A_433 = arith.constant 112 : index
    %swap3A_434 = tpu.vector_load %arg9[%swap3A_432, %swap3A_433] {strides = array<i32>} : memref<16x128xf32, #tpu.memory_space<vmem>>, vector<1x16xf32>,
    %swap3A_435 = vector.shape_cast %swap3A_434 : vector<1x16xf32> to vector<16xf32>
    %swap3A_436 = vector.shape_cast %broadcast_in_dim3A_340 : vector<16xf32> to vector<1x16xf32>
    tpu.vector_store %arg9[%swap3A_432, %swap3A_433], %swap3A_436 {strides = array<i32>} : memref<16x128xf32, #tpu.memory_space<vmem>>, vector<1x16xf32>,
    %swap3A_437 = arith.constant 2 : i32
    %swap3A_438 = arith.index_cast %swap3A_437 : i32 to index
    %swap3A_439 = arith.constant 0 : index
    %swap3A_440 = tpu.vector_load %arg9[%swap3A_438, %swap3A_439] {strides = array<i32>} : memref<16x128xf32, #tpu.memory_space<vmem>>, vector<1x16xf32>,
    %swap3A_441 = vector.shape_cast %swap3A_440 : vector<1x16xf32> to vector<16xf32>
    %swap3A_442 = vector.shape_cast %broadcast_in_dim3A_340 : vector<16xf32> to vector<1x16xf32>
    tpu.vector_store %arg9[%swap3A_438, %swap3A_439], %swap3A_442 {strides = array<i32>} : memref<16x128xf32, #tpu.memory_space<vmem>>, vector<1x16xf32>,
    %swap3A_443 = arith.constant 2 : i32
    %swap3A_444 = arith.index_cast %swap3A_443 : i32 to index
    %swap3A_445 = arith.constant 16 : index
    %swap3A_446 = tpu.vector_load %arg9[%swap3A_444, %swap3A_445] {strides = array<i32>} : memref<16x128xf32, #tpu.memory_space<vmem>>, vector<1x16xf32>,
    %swap3A_447 = vector.shape_cast %swap3A_446 : vector<1x16xf32> to vector<16xf32>
    %swap3A_448 = vector.shape_cast %broadcast_in_dim3A_340 : vector<16xf32> to vector<1x16xf32>
    tpu.vector_store %arg9[%swap3A_444, %swap3A_445], %swap3A_448 {strides = array<i32>} : memref<16x128xf32, #tpu.memory_space<vmem>>, vector<1x16xf32>,
    %swap3A_449 = arith.constant 2 : i32
    %swap3A_450 = arith.index_cast %swap3A_449 : i32 to index
    %swap3A_451 = arith.constant 32 : index
    %swap3A_452 = tpu.vector_load %arg9[%swap3A_450, %swap3A_451] {strides = array<i32>} : memref<16x128xf32, #tpu.memory_space<vmem>>, vector<1x16xf32>,
    %swap3A_453 = vector.shape_cast %swap3A_452 : vector<1x16xf32> to vector<16xf32>
    %swap3A_454 = vector.shape_cast %broadcast_in_dim3A_340 : vector<16xf32> to vector<1x16xf32>
    tpu.vector_store %arg9[%swap3A_450, %swap3A_451], %swap3A_454 {strides = array<i32>} : memref<16x128xf32, #tpu.memory_space<vmem>>, vector<1x16xf32>,
    %swap3A_455 = arith.constant 2 : i32
    %swap3A_456 = arith.index_cast %swap3A_455 : i32 to index
    %swap3A_457 = arith.constant 48 : index
    %swap3A_458 = tpu.vector_load %arg9[%swap3A_456, %swap3A_457] {strides = array<i32>} : memref<16x128xf32, #tpu.memory_space<vmem>>, vector<1x16xf32>,
    %swap3A_459 = vector.shape_cast %swap3A_458 : vector<1x16xf32> to vector<16xf32>
    %swap3A_460 = vector.shape_cast %broadcast_in_dim3A_340 : vector<16xf32> to vector<1x16xf32>
    tpu.vector_store %arg9[%swap3A_456, %swap3A_457], %swap3A_460 {strides = array<i32>} : memref<16x128xf32, #tpu.memory_space<vmem>>, vector<1x16xf32>,
    %swap3A_461 = arith.constant 2 : i32
    %swap3A_462 = arith.index_cast %swap3A_461 : i32 to index
    %swap3A_463 = arith.constant 64 : index
    %swap3A_464 = tpu.vector_load %arg9[%swap3A_462, %swap3A_463] {strides = array<i32>} : memref<16x128xf32, #tpu.memory_space<vmem>>, vector<1x16xf32>,
    %swap3A_465 = vector.shape_cast %swap3A_464 : vector<1x16xf32> to vector<16xf32>
    %swap3A_466 = vector.shape_cast %broadcast_in_dim3A_340 : vector<16xf32> to vector<1x16xf32>
    tpu.vector_store %arg9[%swap3A_462, %swap3A_463], %swap3A_466 {strides = array<i32>} : memref<16x128xf32, #tpu.memory_space<vmem>>, vector<1x16xf32>,
    %swap3A_467 = arith.constant 2 : i32
    %swap3A_468 = arith.index_cast %swap3A_467 : i32 to index
    %swap3A_469 = arith.constant 80 : index
    %swap3A_470 = tpu.vector_load %arg9[%swap3A_468, %swap3A_469] {strides = array<i32>} : memref<16x128xf32, #tpu.memory_space<vmem>>, vector<1x16xf32>,
    %swap3A_471 = vector.shape_cast %swap3A_470 : vector<1x16xf32> to vector<16xf32>
    %swap3A_472 = vector.shape_cast %broadcast_in_dim3A_340 : vector<16xf32> to vector<1x16xf32>
    tpu.vector_store %arg9[%swap3A_468, %swap3A_469], %swap3A_472 {strides = array<i32>} : memref<16x128xf32, #tpu.memory_space<vmem>>, vector<1x16xf32>,
    %swap3A_473 = arith.constant 2 : i32
    %swap3A_474 = arith.index_cast %swap3A_473 : i32 to index
    %swap3A_475 = arith.constant 96 : index
    %swap3A_476 = tpu.vector_load %arg9[%swap3A_474, %swap3A_475] {strides = array<i32>} : memref<16x128xf32, #tpu.memory_space<vmem>>, vector<1x16xf32>,
    %swap3A_477 = vector.shape_cast %swap3A_476 : vector<1x16xf32> to vector<16xf32>
    %swap3A_478 = vector.shape_cast %broadcast_in_dim3A_340 : vector<16xf32> to vector<1x16xf32>
    tpu.vector_store %arg9[%swap3A_474, %swap3A_475], %swap3A_478 {strides = array<i32>} : memref<16x128xf32, #tpu.memory_space<vmem>>, vector<1x16xf32>,
    %swap3A_479 = arith.constant 2 : i32
    %swap3A_480 = arith.index_cast %swap3A_479 : i32 to index
    %swap3A_481 = arith.constant 112 : index
    %swap3A_482 = tpu.vector_load %arg9[%swap3A_480, %swap3A_481] {strides = array<i32>} : memref<16x128xf32, #tpu.memory_space<vmem>>, vector<1x16xf32>,
    %swap3A_483 = vector.shape_cast %swap3A_482 : vector<1x16xf32> to vector<16xf32>
    %swap3A_484 = vector.shape_cast %broadcast_in_dim3A_340 : vector<16xf32> to vector<1x16xf32>
    tpu.vector_store %arg9[%swap3A_480, %swap3A_481], %swap3A_484 {strides = array<i32>} : memref<16x128xf32, #tpu.memory_space<vmem>>, vector<1x16xf32>,
    %swap3A_485 = arith.constant 3 : i32
    %swap3A_486 = arith.index_cast %swap3A_485 : i32 to index
    %swap3A_487 = arith.constant 0 : index
    %swap3A_488 = tpu.vector_load %arg9[%swap3A_486, %swap3A_487] {strides = array<i32>} : memref<16x128xf32, #tpu.memory_space<vmem>>, vector<1x16xf32>,
    %swap3A_489 = vector.shape_cast %swap3A_488 : vector<1x16xf32> to vector<16xf32>
    %swap3A_490 = vector.shape_cast %broadcast_in_dim3A_340 : vector<16xf32> to vector<1x16xf32>
    tpu.vector_store %arg9[%swap3A_486, %swap3A_487], %swap3A_490 {strides = array<i32>} : memref<16x128xf32, #tpu.memory_space<vmem>>, vector<1x16xf32>,
    %swap3A_491 = arith.constant 3 : i32
    %swap3A_492 = arith.index_cast %swap3A_491 : i32 to index
    %swap3A_493 = arith.constant 16 : index
    %swap3A_494 = tpu.vector_load %arg9[%swap3A_492, %swap3A_493] {strides = array<i32>} : memref<16x128xf32, #tpu.memory_space<vmem>>, vector<1x16xf32>,
    %swap3A_495 = vector.shape_cast %swap3A_494 : vector<1x16xf32> to vector<16xf32>
    %swap3A_496 = vector.shape_cast %broadcast_in_dim3A_340 : vector<16xf32> to vector<1x16xf32>
    tpu.vector_store %arg9[%swap3A_492, %swap3A_493], %swap3A_496 {strides = array<i32>} : memref<16x128xf32, #tpu.memory_space<vmem>>, vector<1x16xf32>,
    %swap3A_497 = arith.constant 3 : i32
    %swap3A_498 = arith.index_cast %swap3A_497 : i32 to index
    %swap3A_499 = arith.constant 32 : index
    %swap3A_500 = tpu.vector_load %arg9[%swap3A_498, %swap3A_499] {strides = array<i32>} : memref<16x128xf32, #tpu.memory_space<vmem>>, vector<1x16xf32>,
    %swap3A_501 = vector.shape_cast %swap3A_500 : vector<1x16xf32> to vector<16xf32>
    %swap3A_502 = vector.shape_cast %broadcast_in_dim3A_340 : vector<16xf32> to vector<1x16xf32>
    tpu.vector_store %arg9[%swap3A_498, %swap3A_499], %swap3A_502 {strides = array<i32>} : memref<16x128xf32, #tpu.memory_space<vmem>>, vector<1x16xf32>,
    %swap3A_503 = arith.constant 3 : i32
    %swap3A_504 = arith.index_cast %swap3A_503 : i32 to index
    %swap3A_505 = arith.constant 48 : index
    %swap3A_506 = tpu.vector_load %arg9[%swap3A_504, %swap3A_505] {strides = array<i32>} : memref<16x128xf32, #tpu.memory_space<vmem>>, vector<1x16xf32>,
    %swap3A_507 = vector.shape_cast %swap3A_506 : vector<1x16xf32> to vector<16xf32>
    %swap3A_508 = vector.shape_cast %broadcast_in_dim3A_340 : vector<16xf32> to vector<1x16xf32>
    tpu.vector_store %arg9[%swap3A_504, %swap3A_505], %swap3A_508 {strides = array<i32>} : memref<16x128xf32, #tpu.memory_space<vmem>>, vector<1x16xf32>,
    %swap3A_509 = arith.constant 3 : i32
    %swap3A_510 = arith.index_cast %swap3A_509 : i32 to index
    %swap3A_511 = arith.constant 64 : index
    %swap3A_512 = tpu.vector_load %arg9[%swap3A_510, %swap3A_511] {strides = array<i32>} : memref<16x128xf32, #tpu.memory_space<vmem>>, vector<1x16xf32>,
    %swap3A_513 = vector.shape_cast %swap3A_512 : vector<1x16xf32> to vector<16xf32>
    %swap3A_514 = vector.shape_cast %broadcast_in_dim3A_340 : vector<16xf32> to vector<1x16xf32>
    tpu.vector_store %arg9[%swap3A_510, %swap3A_511], %swap3A_514 {strides = array<i32>} : memref<16x128xf32, #tpu.memory_space<vmem>>, vector<1x16xf32>,
    %swap3A_515 = arith.constant 3 : i32
    %swap3A_516 = arith.index_cast %swap3A_515 : i32 to index
    %swap3A_517 = arith.constant 80 : index
    %swap3A_518 = tpu.vector_load %arg9[%swap3A_516, %swap3A_517] {strides = array<i32>} : memref<16x128xf32, #tpu.memory_space<vmem>>, vector<1x16xf32>,
    %swap3A_519 = vector.shape_cast %swap3A_518 : vector<1x16xf32> to vector<16xf32>
    %swap3A_520 = vector.shape_cast %broadcast_in_dim3A_340 : vector<16xf32> to vector<1x16xf32>
    tpu.vector_store %arg9[%swap3A_516, %swap3A_517], %swap3A_520 {strides = array<i32>} : memref<16x128xf32, #tpu.memory_space<vmem>>, vector<1x16xf32>,
    %swap3A_521 = arith.constant 3 : i32
    %swap3A_522 = arith.index_cast %swap3A_521 : i32 to index
    %swap3A_523 = arith.constant 96 : index
    %swap3A_524 = tpu.vector_load %arg9[%swap3A_522, %swap3A_523] {strides = array<i32>} : memref<16x128xf32, #tpu.memory_space<vmem>>, vector<1x16xf32>,
    %swap3A_525 = vector.shape_cast %swap3A_524 : vector<1x16xf32> to vector<16xf32>
    %swap3A_526 = vector.shape_cast %broadcast_in_dim3A_340 : vector<16xf32> to vector<1x16xf32>
    tpu.vector_store %arg9[%swap3A_522, %swap3A_523], %swap3A_526 {strides = array<i32>} : memref<16x128xf32, #tpu.memory_space<vmem>>, vector<1x16xf32>,
    %swap3A_527 = arith.constant 3 : i32
    %swap3A_528 = arith.index_cast %swap3A_527 : i32 to index
    %swap3A_529 = arith.constant 112 : index
    %swap3A_530 = tpu.vector_load %arg9[%swap3A_528, %swap3A_529] {strides = array<i32>} : memref<16x128xf32, #tpu.memory_space<vmem>>, vector<1x16xf32>,
    %swap3A_531 = vector.shape_cast %swap3A_530 : vector<1x16xf32> to vector<16xf32>
    %swap3A_532 = vector.shape_cast %broadcast_in_dim3A_340 : vector<16xf32> to vector<1x16xf32>
    tpu.vector_store %arg9[%swap3A_528, %swap3A_529], %swap3A_532 {strides = array<i32>} : memref<16x128xf32, #tpu.memory_space<vmem>>, vector<1x16xf32>,
    %swap3A_533 = arith.constant 4 : i32
    %swap3A_534 = arith.index_cast %swap3A_533 : i32 to index
    %swap3A_535 = arith.constant 0 : index
    %swap3A_536 = tpu.vector_load %arg9[%swap3A_534, %swap3A_535] {strides = array<i32>} : memref<16x128xf32, #tpu.memory_space<vmem>>, vector<1x16xf32>,
    %swap3A_537 = vector.shape_cast %swap3A_536 : vector<1x16xf32> to vector<16xf32>
    %swap3A_538 = vector.shape_cast %broadcast_in_dim3A_340 : vector<16xf32> to vector<1x16xf32>
    tpu.vector_store %arg9[%swap3A_534, %swap3A_535], %swap3A_538 {strides = array<i32>} : memref<16x128xf32, #tpu.memory_space<vmem>>, vector<1x16xf32>,
    %swap3A_539 = arith.constant 4 : i32
    %swap3A_540 = arith.index_cast %swap3A_539 : i32 to index
    %swap3A_541 = arith.constant 16 : index
    %swap3A_542 = tpu.vector_load %arg9[%swap3A_540, %swap3A_541] {strides = array<i32>} : memref<16x128xf32, #tpu.memory_space<vmem>>, vector<1x16xf32>,
    %swap3A_543 = vector.shape_cast %swap3A_542 : vector<1x16xf32> to vector<16xf32>
    %swap3A_544 = vector.shape_cast %broadcast_in_dim3A_340 : vector<16xf32> to vector<1x16xf32>
    tpu.vector_store %arg9[%swap3A_540, %swap3A_541], %swap3A_544 {strides = array<i32>} : memref<16x128xf32, #tpu.memory_space<vmem>>, vector<1x16xf32>,
    %swap3A_545 = arith.constant 4 : i32
    %swap3A_546 = arith.index_cast %swap3A_545 : i32 to index
    %swap3A_547 = arith.constant 32 : index
    %swap3A_548 = tpu.vector_load %arg9[%swap3A_546, %swap3A_547] {strides = array<i32>} : memref<16x128xf32, #tpu.memory_space<vmem>>, vector<1x16xf32>,
    %swap3A_549 = vector.shape_cast %swap3A_548 : vector<1x16xf32> to vector<16xf32>
    %swap3A_550 = vector.shape_cast %broadcast_in_dim3A_340 : vector<16xf32> to vector<1x16xf32>
    tpu.vector_store %arg9[%swap3A_546, %swap3A_547], %swap3A_550 {strides = array<i32>} : memref<16x128xf32, #tpu.memory_space<vmem>>, vector<1x16xf32>,
    %swap3A_551 = arith.constant 4 : i32
    %swap3A_552 = arith.index_cast %swap3A_551 : i32 to index
    %swap3A_553 = arith.constant 48 : index
    %swap3A_554 = tpu.vector_load %arg9[%swap3A_552, %swap3A_553] {strides = array<i32>} : memref<16x128xf32, #tpu.memory_space<vmem>>, vector<1x16xf32>,
    %swap3A_555 = vector.shape_cast %swap3A_554 : vector<1x16xf32> to vector<16xf32>
    %swap3A_556 = vector.shape_cast %broadcast_in_dim3A_340 : vector<16xf32> to vector<1x16xf32>
    tpu.vector_store %arg9[%swap3A_552, %swap3A_553], %swap3A_556 {strides = array<i32>} : memref<16x128xf32, #tpu.memory_space<vmem>>, vector<1x16xf32>,
    %swap3A_557 = arith.constant 4 : i32
    %swap3A_558 = arith.index_cast %swap3A_557 : i32 to index
    %swap3A_559 = arith.constant 64 : index
    %swap3A_560 = tpu.vector_load %arg9[%swap3A_558, %swap3A_559] {strides = array<i32>} : memref<16x128xf32, #tpu.memory_space<vmem>>, vector<1x16xf32>,
    %swap3A_561 = vector.shape_cast %swap3A_560 : vector<1x16xf32> to vector<16xf32>
    %swap3A_562 = vector.shape_cast %broadcast_in_dim3A_340 : vector<16xf32> to vector<1x16xf32>
    tpu.vector_store %arg9[%swap3A_558, %swap3A_559], %swap3A_562 {strides = array<i32>} : memref<16x128xf32, #tpu.memory_space<vmem>>, vector<1x16xf32>,
    %swap3A_563 = arith.constant 4 : i32
    %swap3A_564 = arith.index_cast %swap3A_563 : i32 to index
    %swap3A_565 = arith.constant 80 : index
    %swap3A_566 = tpu.vector_load %arg9[%swap3A_564, %swap3A_565] {strides = array<i32>} : memref<16x128xf32, #tpu.memory_space<vmem>>, vector<1x16xf32>,
    %swap3A_567 = vector.shape_cast %swap3A_566 : vector<1x16xf32> to vector<16xf32>
    %swap3A_568 = vector.shape_cast %broadcast_in_dim3A_340 : vector<16xf32> to vector<1x16xf32>
    tpu.vector_store %arg9[%swap3A_564, %swap3A_565], %swap3A_568 {strides = array<i32>} : memref<16x128xf32, #tpu.memory_space<vmem>>, vector<1x16xf32>,
    %swap3A_569 = arith.constant 4 : i32
    %swap3A_570 = arith.index_cast %swap3A_569 : i32 to index
    %swap3A_571 = arith.constant 96 : index
    %swap3A_572 = tpu.vector_load %arg9[%swap3A_570, %swap3A_571] {strides = array<i32>} : memref<16x128xf32, #tpu.memory_space<vmem>>, vector<1x16xf32>,
    %swap3A_573 = vector.shape_cast %swap3A_572 : vector<1x16xf32> to vector<16xf32>
    %swap3A_574 = vector.shape_cast %broadcast_in_dim3A_340 : vector<16xf32> to vector<1x16xf32>
    tpu.vector_store %arg9[%swap3A_570, %swap3A_571], %swap3A_574 {strides = array<i32>} : memref<16x128xf32, #tpu.memory_space<vmem>>, vector<1x16xf32>,
    %swap3A_575 = arith.constant 4 : i32
    %swap3A_576 = arith.index_cast %swap3A_575 : i32 to index
    %swap3A_577 = arith.constant 112 : index
    %swap3A_578 = tpu.vector_load %arg9[%swap3A_576, %swap3A_577] {strides = array<i32>} : memref<16x128xf32, #tpu.memory_space<vmem>>, vector<1x16xf32>,
    %swap3A_579 = vector.shape_cast %swap3A_578 : vector<1x16xf32> to vector<16xf32>
    %swap3A_580 = vector.shape_cast %broadcast_in_dim3A_340 : vector<16xf32> to vector<1x16xf32>
    tpu.vector_store %arg9[%swap3A_576, %swap3A_577], %swap3A_580 {strides = array<i32>} : memref<16x128xf32, #tpu.memory_space<vmem>>, vector<1x16xf32>,
    %swap3A_581 = arith.constant 5 : i32
    %swap3A_582 = arith.index_cast %swap3A_581 : i32 to index
    %swap3A_583 = arith.constant 0 : index
    %swap3A_584 = tpu.vector_load %arg9[%swap3A_582, %swap3A_583] {strides = array<i32>} : memref<16x128xf32, #tpu.memory_space<vmem>>, vector<1x16xf32>,
    %swap3A_585 = vector.shape_cast %swap3A_584 : vector<1x16xf32> to vector<16xf32>
    %swap3A_586 = vector.shape_cast %broadcast_in_dim3A_340 : vector<16xf32> to vector<1x16xf32>
    tpu.vector_store %arg9[%swap3A_582, %swap3A_583], %swap3A_586 {strides = array<i32>} : memref<16x128xf32, #tpu.memory_space<vmem>>, vector<1x16xf32>,
    %swap3A_587 = arith.constant 5 : i32
    %swap3A_588 = arith.index_cast %swap3A_587 : i32 to index
    %swap3A_589 = arith.constant 16 : index
    %swap3A_590 = tpu.vector_load %arg9[%swap3A_588, %swap3A_589] {strides = array<i32>} : memref<16x128xf32, #tpu.memory_space<vmem>>, vector<1x16xf32>,
    %swap3A_591 = vector.shape_cast %swap3A_590 : vector<1x16xf32> to vector<16xf32>
    %swap3A_592 = vector.shape_cast %broadcast_in_dim3A_340 : vector<16xf32> to vector<1x16xf32>
    tpu.vector_store %arg9[%swap3A_588, %swap3A_589], %swap3A_592 {strides = array<i32>} : memref<16x128xf32, #tpu.memory_space<vmem>>, vector<1x16xf32>,
    %swap3A_593 = arith.constant 5 : i32
    %swap3A_594 = arith.index_cast %swap3A_593 : i32 to index
    %swap3A_595 = arith.constant 32 : index
    %swap3A_596 = tpu.vector_load %arg9[%swap3A_594, %swap3A_595] {strides = array<i32>} : memref<16x128xf32, #tpu.memory_space<vmem>>, vector<1x16xf32>,
    %swap3A_597 = vector.shape_cast %swap3A_596 : vector<1x16xf32> to vector<16xf32>
    %swap3A_598 = vector.shape_cast %broadcast_in_dim3A_340 : vector<16xf32> to vector<1x16xf32>
    tpu.vector_store %arg9[%swap3A_594, %swap3A_595], %swap3A_598 {strides = array<i32>} : memref<16x128xf32, #tpu.memory_space<vmem>>, vector<1x16xf32>,
    %swap3A_599 = arith.constant 5 : i32
    %swap3A_600 = arith.index_cast %swap3A_599 : i32 to index
    %swap3A_601 = arith.constant 48 : index
    %swap3A_602 = tpu.vector_load %arg9[%swap3A_600, %swap3A_601] {strides = array<i32>} : memref<16x128xf32, #tpu.memory_space<vmem>>, vector<1x16xf32>,
    %swap3A_603 = vector.shape_cast %swap3A_602 : vector<1x16xf32> to vector<16xf32>
    %swap3A_604 = vector.shape_cast %broadcast_in_dim3A_340 : vector<16xf32> to vector<1x16xf32>
    tpu.vector_store %arg9[%swap3A_600, %swap3A_601], %swap3A_604 {strides = array<i32>} : memref<16x128xf32, #tpu.memory_space<vmem>>, vector<1x16xf32>,
    %swap3A_605 = arith.constant 5 : i32
    %swap3A_606 = arith.index_cast %swap3A_605 : i32 to index
    %swap3A_607 = arith.constant 64 : index
    %swap3A_608 = tpu.vector_load %arg9[%swap3A_606, %swap3A_607] {strides = array<i32>} : memref<16x128xf32, #tpu.memory_space<vmem>>, vector<1x16xf32>,
    %swap3A_609 = vector.shape_cast %swap3A_608 : vector<1x16xf32> to vector<16xf32>
    %swap3A_610 = vector.shape_cast %broadcast_in_dim3A_340 : vector<16xf32> to vector<1x16xf32>
    tpu.vector_store %arg9[%swap3A_606, %swap3A_607], %swap3A_610 {strides = array<i32>} : memref<16x128xf32, #tpu.memory_space<vmem>>, vector<1x16xf32>,
    %swap3A_611 = arith.constant 5 : i32
    %swap3A_612 = arith.index_cast %swap3A_611 : i32 to index
    %swap3A_613 = arith.constant 80 : index
    %swap3A_614 = tpu.vector_load %arg9[%swap3A_612, %swap3A_613] {strides = array<i32>} : memref<16x128xf32, #tpu.memory_space<vmem>>, vector<1x16xf32>,
    %swap3A_615 = vector.shape_cast %swap3A_614 : vector<1x16xf32> to vector<16xf32>
    %swap3A_616 = vector.shape_cast %broadcast_in_dim3A_340 : vector<16xf32> to vector<1x16xf32>
    tpu.vector_store %arg9[%swap3A_612, %swap3A_613], %swap3A_616 {strides = array<i32>} : memref<16x128xf32, #tpu.memory_space<vmem>>, vector<1x16xf32>,
    %swap3A_617 = arith.constant 5 : i32
    %swap3A_618 = arith.index_cast %swap3A_617 : i32 to index
    %swap3A_619 = arith.constant 96 : index
    %swap3A_620 = tpu.vector_load %arg9[%swap3A_618, %swap3A_619] {strides = array<i32>} : memref<16x128xf32, #tpu.memory_space<vmem>>, vector<1x16xf32>,
    %swap3A_621 = vector.shape_cast %swap3A_620 : vector<1x16xf32> to vector<16xf32>
    %swap3A_622 = vector.shape_cast %broadcast_in_dim3A_340 : vector<16xf32> to vector<1x16xf32>
    tpu.vector_store %arg9[%swap3A_618, %swap3A_619], %swap3A_622 {strides = array<i32>} : memref<16x128xf32, #tpu.memory_space<vmem>>, vector<1x16xf32>,
    %swap3A_623 = arith.constant 5 : i32
    %swap3A_624 = arith.index_cast %swap3A_623 : i32 to index
    %swap3A_625 = arith.constant 112 : index
    %swap3A_626 = tpu.vector_load %arg9[%swap3A_624, %swap3A_625] {strides = array<i32>} : memref<16x128xf32, #tpu.memory_space<vmem>>, vector<1x16xf32>,
    %swap3A_627 = vector.shape_cast %swap3A_626 : vector<1x16xf32> to vector<16xf32>
    %swap3A_628 = vector.shape_cast %broadcast_in_dim3A_340 : vector<16xf32> to vector<1x16xf32>
    tpu.vector_store %arg9[%swap3A_624, %swap3A_625], %swap3A_628 {strides = array<i32>} : memref<16x128xf32, #tpu.memory_space<vmem>>, vector<1x16xf32>,
    %swap3A_629 = arith.constant 6 : i32
    %swap3A_630 = arith.index_cast %swap3A_629 : i32 to index
    %swap3A_631 = arith.constant 0 : index
    %swap3A_632 = tpu.vector_load %arg9[%swap3A_630, %swap3A_631] {strides = array<i32>} : memref<16x128xf32, #tpu.memory_space<vmem>>, vector<1x16xf32>,
    %swap3A_633 = vector.shape_cast %swap3A_632 : vector<1x16xf32> to vector<16xf32>
    %swap3A_634 = vector.shape_cast %broadcast_in_dim3A_340 : vector<16xf32> to vector<1x16xf32>
    tpu.vector_store %arg9[%swap3A_630, %swap3A_631], %swap3A_634 {strides = array<i32>} : memref<16x128xf32, #tpu.memory_space<vmem>>, vector<1x16xf32>,
    %swap3A_635 = arith.constant 6 : i32
    %swap3A_636 = arith.index_cast %swap3A_635 : i32 to index
    %swap3A_637 = arith.constant 16 : index
    %swap3A_638 = tpu.vector_load %arg9[%swap3A_636, %swap3A_637] {strides = array<i32>} : memref<16x128xf32, #tpu.memory_space<vmem>>, vector<1x16xf32>,
    %swap3A_639 = vector.shape_cast %swap3A_638 : vector<1x16xf32> to vector<16xf32>
    %swap3A_640 = vector.shape_cast %broadcast_in_dim3A_340 : vector<16xf32> to vector<1x16xf32>
    tpu.vector_store %arg9[%swap3A_636, %swap3A_637], %swap3A_640 {strides = array<i32>} : memref<16x128xf32, #tpu.memory_space<vmem>>, vector<1x16xf32>,
    %swap3A_641 = arith.constant 6 : i32
    %swap3A_642 = arith.index_cast %swap3A_641 : i32 to index
    %swap3A_643 = arith.constant 32 : index
    %swap3A_644 = tpu.vector_load %arg9[%swap3A_642, %swap3A_643] {strides = array<i32>} : memref<16x128xf32, #tpu.memory_space<vmem>>, vector<1x16xf32>,
    %swap3A_645 = vector.shape_cast %swap3A_644 : vector<1x16xf32> to vector<16xf32>
    %swap3A_646 = vector.shape_cast %broadcast_in_dim3A_340 : vector<16xf32> to vector<1x16xf32>
    tpu.vector_store %arg9[%swap3A_642, %swap3A_643], %swap3A_646 {strides = array<i32>} : memref<16x128xf32, #tpu.memory_space<vmem>>, vector<1x16xf32>,
    %swap3A_647 = arith.constant 6 : i32
    %swap3A_648 = arith.index_cast %swap3A_647 : i32 to index
    %swap3A_649 = arith.constant 48 : index
    %swap3A_650 = tpu.vector_load %arg9[%swap3A_648, %swap3A_649] {strides = array<i32>} : memref<16x128xf32, #tpu.memory_space<vmem>>, vector<1x16xf32>,
    %swap3A_651 = vector.shape_cast %swap3A_650 : vector<1x16xf32> to vector<16xf32>
    %swap3A_652 = vector.shape_cast %broadcast_in_dim3A_340 : vector<16xf32> to vector<1x16xf32>
    tpu.vector_store %arg9[%swap3A_648, %swap3A_649], %swap3A_652 {strides = array<i32>} : memref<16x128xf32, #tpu.memory_space<vmem>>, vector<1x16xf32>,
    %swap3A_653 = arith.constant 6 : i32
    %swap3A_654 = arith.index_cast %swap3A_653 : i32 to index
    %swap3A_655 = arith.constant 64 : index
    %swap3A_656 = tpu.vector_load %arg9[%swap3A_654, %swap3A_655] {strides = array<i32>} : memref<16x128xf32, #tpu.memory_space<vmem>>, vector<1x16xf32>,
    %swap3A_657 = vector.shape_cast %swap3A_656 : vector<1x16xf32> to vector<16xf32>
    %swap3A_658 = vector.shape_cast %broadcast_in_dim3A_340 : vector<16xf32> to vector<1x16xf32>
    tpu.vector_store %arg9[%swap3A_654, %swap3A_655], %swap3A_658 {strides = array<i32>} : memref<16x128xf32, #tpu.memory_space<vmem>>, vector<1x16xf32>,
    %swap3A_659 = arith.constant 6 : i32
    %swap3A_660 = arith.index_cast %swap3A_659 : i32 to index
    %swap3A_661 = arith.constant 80 : index
    %swap3A_662 = tpu.vector_load %arg9[%swap3A_660, %swap3A_661] {strides = array<i32>} : memref<16x128xf32, #tpu.memory_space<vmem>>, vector<1x16xf32>,
    %swap3A_663 = vector.shape_cast %swap3A_662 : vector<1x16xf32> to vector<16xf32>
    %swap3A_664 = vector.shape_cast %broadcast_in_dim3A_340 : vector<16xf32> to vector<1x16xf32>
    tpu.vector_store %arg9[%swap3A_660, %swap3A_661], %swap3A_664 {strides = array<i32>} : memref<16x128xf32, #tpu.memory_space<vmem>>, vector<1x16xf32>,
    %swap3A_665 = arith.constant 6 : i32
    %swap3A_666 = arith.index_cast %swap3A_665 : i32 to index
    %swap3A_667 = arith.constant 96 : index
    %swap3A_668 = tpu.vector_load %arg9[%swap3A_666, %swap3A_667] {strides = array<i32>} : memref<16x128xf32, #tpu.memory_space<vmem>>, vector<1x16xf32>,
    %swap3A_669 = vector.shape_cast %swap3A_668 : vector<1x16xf32> to vector<16xf32>
    %swap3A_670 = vector.shape_cast %broadcast_in_dim3A_340 : vector<16xf32> to vector<1x16xf32>
    tpu.vector_store %arg9[%swap3A_666, %swap3A_667], %swap3A_670 {strides = array<i32>} : memref<16x128xf32, #tpu.memory_space<vmem>>, vector<1x16xf32>,
    %swap3A_671 = arith.constant 6 : i32
    %swap3A_672 = arith.index_cast %swap3A_671 : i32 to index
    %swap3A_673 = arith.constant 112 : index
    %swap3A_674 = tpu.vector_load %arg9[%swap3A_672, %swap3A_673] {strides = array<i32>} : memref<16x128xf32, #tpu.memory_space<vmem>>, vector<1x16xf32>,
    %swap3A_675 = vector.shape_cast %swap3A_674 : vector<1x16xf32> to vector<16xf32>
    %swap3A_676 = vector.shape_cast %broadcast_in_dim3A_340 : vector<16xf32> to vector<1x16xf32>
    tpu.vector_store %arg9[%swap3A_672, %swap3A_673], %swap3A_676 {strides = array<i32>} : memref<16x128xf32, #tpu.memory_space<vmem>>, vector<1x16xf32>,
    %swap3A_677 = arith.constant 7 : i32
    %swap3A_678 = arith.index_cast %swap3A_677 : i32 to index
    %swap3A_679 = arith.constant 0 : index
    %swap3A_680 = tpu.vector_load %arg9[%swap3A_678, %swap3A_679] {strides = array<i32>} : memref<16x128xf32, #tpu.memory_space<vmem>>, vector<1x16xf32>,
    %swap3A_681 = vector.shape_cast %swap3A_680 : vector<1x16xf32> to vector<16xf32>
    %swap3A_682 = vector.shape_cast %broadcast_in_dim3A_340 : vector<16xf32> to vector<1x16xf32>
    tpu.vector_store %arg9[%swap3A_678, %swap3A_679], %swap3A_682 {strides = array<i32>} : memref<16x128xf32, #tpu.memory_space<vmem>>, vector<1x16xf32>,
    %swap3A_683 = arith.constant 7 : i32
    %swap3A_684 = arith.index_cast %swap3A_683 : i32 to index
    %swap3A_685 = arith.constant 16 : index
    %swap3A_686 = tpu.vector_load %arg9[%swap3A_684, %swap3A_685] {strides = array<i32>} : memref<16x128xf32, #tpu.memory_space<vmem>>, vector<1x16xf32>,
    %swap3A_687 = vector.shape_cast %swap3A_686 : vector<1x16xf32> to vector<16xf32>
    %swap3A_688 = vector.shape_cast %broadcast_in_dim3A_340 : vector<16xf32> to vector<1x16xf32>
    tpu.vector_store %arg9[%swap3A_684, %swap3A_685], %swap3A_688 {strides = array<i32>} : memref<16x128xf32, #tpu.memory_space<vmem>>, vector<1x16xf32>,
    %swap3A_689 = arith.constant 7 : i32
    %swap3A_690 = arith.index_cast %swap3A_689 : i32 to index
    %swap3A_691 = arith.constant 32 : index
    %swap3A_692 = tpu.vector_load %arg9[%swap3A_690, %swap3A_691] {strides = array<i32>} : memref<16x128xf32, #tpu.memory_space<vmem>>, vector<1x16xf32>,
    %swap3A_693 = vector.shape_cast %swap3A_692 : vector<1x16xf32> to vector<16xf32>
    %swap3A_694 = vector.shape_cast %broadcast_in_dim3A_340 : vector<16xf32> to vector<1x16xf32>
    tpu.vector_store %arg9[%swap3A_690, %swap3A_691], %swap3A_694 {strides = array<i32>} : memref<16x128xf32, #tpu.memory_space<vmem>>, vector<1x16xf32>,
    %swap3A_695 = arith.constant 7 : i32
    %swap3A_696 = arith.index_cast %swap3A_695 : i32 to index
    %swap3A_697 = arith.constant 48 : index
    %swap3A_698 = tpu.vector_load %arg9[%swap3A_696, %swap3A_697] {strides = array<i32>} : memref<16x128xf32, #tpu.memory_space<vmem>>, vector<1x16xf32>,
    %swap3A_699 = vector.shape_cast %swap3A_698 : vector<1x16xf32> to vector<16xf32>
    %swap3A_700 = vector.shape_cast %broadcast_in_dim3A_340 : vector<16xf32> to vector<1x16xf32>
    tpu.vector_store %arg9[%swap3A_696, %swap3A_697], %swap3A_700 {strides = array<i32>} : memref<16x128xf32, #tpu.memory_space<vmem>>, vector<1x16xf32>,
    %swap3A_701 = arith.constant 7 : i32
    %swap3A_702 = arith.index_cast %swap3A_701 : i32 to index
    %swap3A_703 = arith.constant 64 : index
    %swap3A_704 = tpu.vector_load %arg9[%swap3A_702, %swap3A_703] {strides = array<i32>} : memref<16x128xf32, #tpu.memory_space<vmem>>, vector<1x16xf32>,
    %swap3A_705 = vector.shape_cast %swap3A_704 : vector<1x16xf32> to vector<16xf32>
    %swap3A_706 = vector.shape_cast %broadcast_in_dim3A_340 : vector<16xf32> to vector<1x16xf32>
    tpu.vector_store %arg9[%swap3A_702, %swap3A_703], %swap3A_706 {strides = array<i32>} : memref<16x128xf32, #tpu.memory_space<vmem>>, vector<1x16xf32>,
    %swap3A_707 = arith.constant 7 : i32
    %swap3A_708 = arith.index_cast %swap3A_707 : i32 to index
    %swap3A_709 = arith.constant 80 : index
    %swap3A_710 = tpu.vector_load %arg9[%swap3A_708, %swap3A_709] {strides = array<i32>} : memref<16x128xf32, #tpu.memory_space<vmem>>, vector<1x16xf32>,
    %swap3A_711 = vector.shape_cast %swap3A_710 : vector<1x16xf32> to vector<16xf32>
    %swap3A_712 = vector.shape_cast %broadcast_in_dim3A_340 : vector<16xf32> to vector<1x16xf32>
    tpu.vector_store %arg9[%swap3A_708, %swap3A_709], %swap3A_712 {strides = array<i32>} : memref<16x128xf32, #tpu.memory_space<vmem>>, vector<1x16xf32>,
    %swap3A_713 = arith.constant 7 : i32
    %swap3A_714 = arith.index_cast %swap3A_713 : i32 to index
    %swap3A_715 = arith.constant 96 : index
    %swap3A_716 = tpu.vector_load %arg9[%swap3A_714, %swap3A_715] {strides = array<i32>} : memref<16x128xf32, #tpu.memory_space<vmem>>, vector<1x16xf32>,
    %swap3A_717 = vector.shape_cast %swap3A_716 : vector<1x16xf32> to vector<16xf32>
    %swap3A_718 = vector.shape_cast %broadcast_in_dim3A_340 : vector<16xf32> to vector<1x16xf32>
    tpu.vector_store %arg9[%swap3A_714, %swap3A_715], %swap3A_718 {strides = array<i32>} : memref<16x128xf32, #tpu.memory_space<vmem>>, vector<1x16xf32>,
    %swap3A_719 = arith.constant 7 : i32
    %swap3A_720 = arith.index_cast %swap3A_719 : i32 to index
    %swap3A_721 = arith.constant 112 : index
    %swap3A_722 = tpu.vector_load %arg9[%swap3A_720, %swap3A_721] {strides = array<i32>} : memref<16x128xf32, #tpu.memory_space<vmem>>, vector<1x16xf32>,
    %swap3A_723 = vector.shape_cast %swap3A_722 : vector<1x16xf32> to vector<16xf32>
    %swap3A_724 = vector.shape_cast %broadcast_in_dim3A_340 : vector<16xf32> to vector<1x16xf32>
    tpu.vector_store %arg9[%swap3A_720, %swap3A_721], %swap3A_724 {strides = array<i32>} : memref<16x128xf32, #tpu.memory_space<vmem>>, vector<1x16xf32>,
    %swap3A_725 = arith.constant 8 : i32
    %swap3A_726 = arith.index_cast %swap3A_725 : i32 to index
    %swap3A_727 = arith.constant 0 : index
    %swap3A_728 = tpu.vector_load %arg9[%swap3A_726, %swap3A_727] {strides = array<i32>} : memref<16x128xf32, #tpu.memory_space<vmem>>, vector<1x16xf32>,
    %swap3A_729 = vector.shape_cast %swap3A_728 : vector<1x16xf32> to vector<16xf32>
    %swap3A_730 = vector.shape_cast %broadcast_in_dim3A_340 : vector<16xf32> to vector<1x16xf32>
    tpu.vector_store %arg9[%swap3A_726, %swap3A_727], %swap3A_730 {strides = array<i32>} : memref<16x128xf32, #tpu.memory_space<vmem>>, vector<1x16xf32>,
    %swap3A_731 = arith.constant 8 : i32
    %swap3A_732 = arith.index_cast %swap3A_731 : i32 to index
    %swap3A_733 = arith.constant 16 : index
    %swap3A_734 = tpu.vector_load %arg9[%swap3A_732, %swap3A_733] {strides = array<i32>} : memref<16x128xf32, #tpu.memory_space<vmem>>, vector<1x16xf32>,
    %swap3A_735 = vector.shape_cast %swap3A_734 : vector<1x16xf32> to vector<16xf32>
    %swap3A_736 = vector.shape_cast %broadcast_in_dim3A_340 : vector<16xf32> to vector<1x16xf32>
    tpu.vector_store %arg9[%swap3A_732, %swap3A_733], %swap3A_736 {strides = array<i32>} : memref<16x128xf32, #tpu.memory_space<vmem>>, vector<1x16xf32>,
    %swap3A_737 = arith.constant 8 : i32
    %swap3A_738 = arith.index_cast %swap3A_737 : i32 to index
    %swap3A_739 = arith.constant 32 : index
    %swap3A_740 = tpu.vector_load %arg9[%swap3A_738, %swap3A_739] {strides = array<i32>} : memref<16x128xf32, #tpu.memory_space<vmem>>, vector<1x16xf32>,
    %swap3A_741 = vector.shape_cast %swap3A_740 : vector<1x16xf32> to vector<16xf32>
    %swap3A_742 = vector.shape_cast %broadcast_in_dim3A_340 : vector<16xf32> to vector<1x16xf32>
    tpu.vector_store %arg9[%swap3A_738, %swap3A_739], %swap3A_742 {strides = array<i32>} : memref<16x128xf32, #tpu.memory_space<vmem>>, vector<1x16xf32>,
    %swap3A_743 = arith.constant 8 : i32
    %swap3A_744 = arith.index_cast %swap3A_743 : i32 to index
    %swap3A_745 = arith.constant 48 : index
    %swap3A_746 = tpu.vector_load %arg9[%swap3A_744, %swap3A_745] {strides = array<i32>} : memref<16x128xf32, #tpu.memory_space<vmem>>, vector<1x16xf32>,
    %swap3A_747 = vector.shape_cast %swap3A_746 : vector<1x16xf32> to vector<16xf32>
    %swap3A_748 = vector.shape_cast %broadcast_in_dim3A_340 : vector<16xf32> to vector<1x16xf32>
    tpu.vector_store %arg9[%swap3A_744, %swap3A_745], %swap3A_748 {strides = array<i32>} : memref<16x128xf32, #tpu.memory_space<vmem>>, vector<1x16xf32>,
    %swap3A_749 = arith.constant 8 : i32
    %swap3A_750 = arith.index_cast %swap3A_749 : i32 to index
    %swap3A_751 = arith.constant 64 : index
    %swap3A_752 = tpu.vector_load %arg9[%swap3A_750, %swap3A_751] {strides = array<i32>} : memref<16x128xf32, #tpu.memory_space<vmem>>, vector<1x16xf32>,
    %swap3A_753 = vector.shape_cast %swap3A_752 : vector<1x16xf32> to vector<16xf32>
    %swap3A_754 = vector.shape_cast %broadcast_in_dim3A_340 : vector<16xf32> to vector<1x16xf32>
    tpu.vector_store %arg9[%swap3A_750, %swap3A_751], %swap3A_754 {strides = array<i32>} : memref<16x128xf32, #tpu.memory_space<vmem>>, vector<1x16xf32>,
    %swap3A_755 = arith.constant 8 : i32
    %swap3A_756 = arith.index_cast %swap3A_755 : i32 to index
    %swap3A_757 = arith.constant 80 : index
    %swap3A_758 = tpu.vector_load %arg9[%swap3A_756, %swap3A_757] {strides = array<i32>} : memref<16x128xf32, #tpu.memory_space<vmem>>, vector<1x16xf32>,
    %swap3A_759 = vector.shape_cast %swap3A_758 : vector<1x16xf32> to vector<16xf32>
    %swap3A_760 = vector.shape_cast %broadcast_in_dim3A_340 : vector<16xf32> to vector<1x16xf32>
    tpu.vector_store %arg9[%swap3A_756, %swap3A_757], %swap3A_760 {strides = array<i32>} : memref<16x128xf32, #tpu.memory_space<vmem>>, vector<1x16xf32>,
    %swap3A_761 = arith.constant 8 : i32
    %swap3A_762 = arith.index_cast %swap3A_761 : i32 to index
    %swap3A_763 = arith.constant 96 : index
    %swap3A_764 = tpu.vector_load %arg9[%swap3A_762, %swap3A_763] {strides = array<i32>} : memref<16x128xf32, #tpu.memory_space<vmem>>, vector<1x16xf32>,
    %swap3A_765 = vector.shape_cast %swap3A_764 : vector<1x16xf32> to vector<16xf32>
    %swap3A_766 = vector.shape_cast %broadcast_in_dim3A_340 : vector<16xf32> to vector<1x16xf32>
    tpu.vector_store %arg9[%swap3A_762, %swap3A_763], %swap3A_766 {strides = array<i32>} : memref<16x128xf32, #tpu.memory_space<vmem>>, vector<1x16xf32>,
    %swap3A_767 = arith.constant 8 : i32
    %swap3A_768 = arith.index_cast %swap3A_767 : i32 to index
    %swap3A_769 = arith.constant 112 : index
    %swap3A_770 = tpu.vector_load %arg9[%swap3A_768, %swap3A_769] {strides = array<i32>} : memref<16x128xf32, #tpu.memory_space<vmem>>, vector<1x16xf32>,
    %swap3A_771 = vector.shape_cast %swap3A_770 : vector<1x16xf32> to vector<16xf32>
    %swap3A_772 = vector.shape_cast %broadcast_in_dim3A_340 : vector<16xf32> to vector<1x16xf32>
    tpu.vector_store %arg9[%swap3A_768, %swap3A_769], %swap3A_772 {strides = array<i32>} : memref<16x128xf32, #tpu.memory_space<vmem>>, vector<1x16xf32>,
    %swap3A_773 = arith.constant 9 : i32
    %swap3A_774 = arith.index_cast %swap3A_773 : i32 to index
    %swap3A_775 = arith.constant 0 : index
    %swap3A_776 = tpu.vector_load %arg9[%swap3A_774, %swap3A_775] {strides = array<i32>} : memref<16x128xf32, #tpu.memory_space<vmem>>, vector<1x16xf32>,
    %swap3A_777 = vector.shape_cast %swap3A_776 : vector<1x16xf32> to vector<16xf32>
    %swap3A_778 = vector.shape_cast %broadcast_in_dim3A_340 : vector<16xf32> to vector<1x16xf32>
    tpu.vector_store %arg9[%swap3A_774, %swap3A_775], %swap3A_778 {strides = array<i32>} : memref<16x128xf32, #tpu.memory_space<vmem>>, vector<1x16xf32>,
    %swap3A_779 = arith.constant 9 : i32
    %swap3A_780 = arith.index_cast %swap3A_779 : i32 to index
    %swap3A_781 = arith.constant 16 : index
    %swap3A_782 = tpu.vector_load %arg9[%swap3A_780, %swap3A_781] {strides = array<i32>} : memref<16x128xf32, #tpu.memory_space<vmem>>, vector<1x16xf32>,
    %swap3A_783 = vector.shape_cast %swap3A_782 : vector<1x16xf32> to vector<16xf32>
    %swap3A_784 = vector.shape_cast %broadcast_in_dim3A_340 : vector<16xf32> to vector<1x16xf32>
    tpu.vector_store %arg9[%swap3A_780, %swap3A_781], %swap3A_784 {strides = array<i32>} : memref<16x128xf32, #tpu.memory_space<vmem>>, vector<1x16xf32>,
    %swap3A_785 = arith.constant 9 : i32
    %swap3A_786 = arith.index_cast %swap3A_785 : i32 to index
    %swap3A_787 = arith.constant 32 : index
    %swap3A_788 = tpu.vector_load %arg9[%swap3A_786, %swap3A_787] {strides = array<i32>} : memref<16x128xf32, #tpu.memory_space<vmem>>, vector<1x16xf32>,
    %swap3A_789 = vector.shape_cast %swap3A_788 : vector<1x16xf32> to vector<16xf32>
    %swap3A_790 = vector.shape_cast %broadcast_in_dim3A_340 : vector<16xf32> to vector<1x16xf32>
    tpu.vector_store %arg9[%swap3A_786, %swap3A_787], %swap3A_790 {strides = array<i32>} : memref<16x128xf32, #tpu.memory_space<vmem>>, vector<1x16xf32>,
    %swap3A_791 = arith.constant 9 : i32
    %swap3A_792 = arith.index_cast %swap3A_791 : i32 to index
    %swap3A_793 = arith.constant 48 : index
    %swap3A_794 = tpu.vector_load %arg9[%swap3A_792, %swap3A_793] {strides = array<i32>} : memref<16x128xf32, #tpu.memory_space<vmem>>, vector<1x16xf32>,
    %swap3A_795 = vector.shape_cast %swap3A_794 : vector<1x16xf32> to vector<16xf32>
    %swap3A_796 = vector.shape_cast %broadcast_in_dim3A_340 : vector<16xf32> to vector<1x16xf32>
    tpu.vector_store %arg9[%swap3A_792, %swap3A_793], %swap3A_796 {strides = array<i32>} : memref<16x128xf32, #tpu.memory_space<vmem>>, vector<1x16xf32>,
    %swap3A_797 = arith.constant 9 : i32
    %swap3A_798 = arith.index_cast %swap3A_797 : i32 to index
    %swap3A_799 = arith.constant 64 : index
    %swap3A_800 = tpu.vector_load %arg9[%swap3A_798, %swap3A_799] {strides = array<i32>} : memref<16x128xf32, #tpu.memory_space<vmem>>, vector<1x16xf32>,
    %swap3A_801 = vector.shape_cast %swap3A_800 : vector<1x16xf32> to vector<16xf32>
    %swap3A_802 = vector.shape_cast %broadcast_in_dim3A_340 : vector<16xf32> to vector<1x16xf32>
    tpu.vector_store %arg9[%swap3A_798, %swap3A_799], %swap3A_802 {strides = array<i32>} : memref<16x128xf32, #tpu.memory_space<vmem>>, vector<1x16xf32>,
    %swap3A_803 = arith.constant 9 : i32
    %swap3A_804 = arith.index_cast %swap3A_803 : i32 to index
    %swap3A_805 = arith.constant 80 : index
    %swap3A_806 = tpu.vector_load %arg9[%swap3A_804, %swap3A_805] {strides = array<i32>} : memref<16x128xf32, #tpu.memory_space<vmem>>, vector<1x16xf32>,
    %swap3A_807 = vector.shape_cast %swap3A_806 : vector<1x16xf32> to vector<16xf32>
    %swap3A_808 = vector.shape_cast %broadcast_in_dim3A_340 : vector<16xf32> to vector<1x16xf32>
    tpu.vector_store %arg9[%swap3A_804, %swap3A_805], %swap3A_808 {strides = array<i32>} : memref<16x128xf32, #tpu.memory_space<vmem>>, vector<1x16xf32>,
    %swap3A_809 = arith.constant 9 : i32
    %swap3A_810 = arith.index_cast %swap3A_809 : i32 to index
    %swap3A_811 = arith.constant 96 : index
    %swap3A_812 = tpu.vector_load %arg9[%swap3A_810, %swap3A_811] {strides = array<i32>} : memref<16x128xf32, #tpu.memory_space<vmem>>, vector<1x16xf32>,
    %swap3A_813 = vector.shape_cast %swap3A_812 : vector<1x16xf32> to vector<16xf32>
    %swap3A_814 = vector.shape_cast %broadcast_in_dim3A_340 : vector<16xf32> to vector<1x16xf32>
    tpu.vector_store %arg9[%swap3A_810, %swap3A_811], %swap3A_814 {strides = array<i32>} : memref<16x128xf32, #tpu.memory_space<vmem>>, vector<1x16xf32>,
    %swap3A_815 = arith.constant 9 : i32
    %swap3A_816 = arith.index_cast %swap3A_815 : i32 to index
    %swap3A_817 = arith.constant 112 : index
    %swap3A_818 = tpu.vector_load %arg9[%swap3A_816, %swap3A_817] {strides = array<i32>} : memref<16x128xf32, #tpu.memory_space<vmem>>, vector<1x16xf32>,
    %swap3A_819 = vector.shape_cast %swap3A_818 : vector<1x16xf32> to vector<16xf32>
    %swap3A_820 = vector.shape_cast %broadcast_in_dim3A_340 : vector<16xf32> to vector<1x16xf32>
    tpu.vector_store %arg9[%swap3A_816, %swap3A_817], %swap3A_820 {strides = array<i32>} : memref<16x128xf32, #tpu.memory_space<vmem>>, vector<1x16xf32>,
    %swap3A_821 = arith.constant 10 : i32
    %swap3A_822 = arith.index_cast %swap3A_821 : i32 to index
    %swap3A_823 = arith.constant 0 : index
    %swap3A_824 = tpu.vector_load %arg9[%swap3A_822, %swap3A_823] {strides = array<i32>} : memref<16x128xf32, #tpu.memory_space<vmem>>, vector<1x16xf32>,
    %swap3A_825 = vector.shape_cast %swap3A_824 : vector<1x16xf32> to vector<16xf32>
    %swap3A_826 = vector.shape_cast %broadcast_in_dim3A_340 : vector<16xf32> to vector<1x16xf32>
    tpu.vector_store %arg9[%swap3A_822, %swap3A_823], %swap3A_826 {strides = array<i32>} : memref<16x128xf32, #tpu.memory_space<vmem>>, vector<1x16xf32>,
    %swap3A_827 = arith.constant 10 : i32
    %swap3A_828 = arith.index_cast %swap3A_827 : i32 to index
    %swap3A_829 = arith.constant 16 : index
    %swap3A_830 = tpu.vector_load %arg9[%swap3A_828, %swap3A_829] {strides = array<i32>} : memref<16x128xf32, #tpu.memory_space<vmem>>, vector<1x16xf32>,
    %swap3A_831 = vector.shape_cast %swap3A_830 : vector<1x16xf32> to vector<16xf32>
    %swap3A_832 = vector.shape_cast %broadcast_in_dim3A_340 : vector<16xf32> to vector<1x16xf32>
    tpu.vector_store %arg9[%swap3A_828, %swap3A_829], %swap3A_832 {strides = array<i32>} : memref<16x128xf32, #tpu.memory_space<vmem>>, vector<1x16xf32>,
    %swap3A_833 = arith.constant 10 : i32
    %swap3A_834 = arith.index_cast %swap3A_833 : i32 to index
    %swap3A_835 = arith.constant 32 : index
    %swap3A_836 = tpu.vector_load %arg9[%swap3A_834, %swap3A_835] {strides = array<i32>} : memref<16x128xf32, #tpu.memory_space<vmem>>, vector<1x16xf32>,
    %swap3A_837 = vector.shape_cast %swap3A_836 : vector<1x16xf32> to vector<16xf32>
    %swap3A_838 = vector.shape_cast %broadcast_in_dim3A_340 : vector<16xf32> to vector<1x16xf32>
    tpu.vector_store %arg9[%swap3A_834, %swap3A_835], %swap3A_838 {strides = array<i32>} : memref<16x128xf32, #tpu.memory_space<vmem>>, vector<1x16xf32>,
    %swap3A_839 = arith.constant 10 : i32
    %swap3A_840 = arith.index_cast %swap3A_839 : i32 to index
    %swap3A_841 = arith.constant 48 : index
    %swap3A_842 = tpu.vector_load %arg9[%swap3A_840, %swap3A_841] {strides = array<i32>} : memref<16x128xf32, #tpu.memory_space<vmem>>, vector<1x16xf32>,
    %swap3A_843 = vector.shape_cast %swap3A_842 : vector<1x16xf32> to vector<16xf32>
    %swap3A_844 = vector.shape_cast %broadcast_in_dim3A_340 : vector<16xf32> to vector<1x16xf32>
    tpu.vector_store %arg9[%swap3A_840, %swap3A_841], %swap3A_844 {strides = array<i32>} : memref<16x128xf32, #tpu.memory_space<vmem>>, vector<1x16xf32>,
    %swap3A_845 = arith.constant 10 : i32
    %swap3A_846 = arith.index_cast %swap3A_845 : i32 to index
    %swap3A_847 = arith.constant 64 : index
    %swap3A_848 = tpu.vector_load %arg9[%swap3A_846, %swap3A_847] {strides = array<i32>} : memref<16x128xf32, #tpu.memory_space<vmem>>, vector<1x16xf32>,
    %swap3A_849 = vector.shape_cast %swap3A_848 : vector<1x16xf32> to vector<16xf32>
    %swap3A_850 = vector.shape_cast %broadcast_in_dim3A_340 : vector<16xf32> to vector<1x16xf32>
    tpu.vector_store %arg9[%swap3A_846, %swap3A_847], %swap3A_850 {strides = array<i32>} : memref<16x128xf32, #tpu.memory_space<vmem>>, vector<1x16xf32>,
    %swap3A_851 = arith.constant 10 : i32
    %swap3A_852 = arith.index_cast %swap3A_851 : i32 to index
    %swap3A_853 = arith.constant 80 : index
    %swap3A_854 = tpu.vector_load %arg9[%swap3A_852, %swap3A_853] {strides = array<i32>} : memref<16x128xf32, #tpu.memory_space<vmem>>, vector<1x16xf32>,
    %swap3A_855 = vector.shape_cast %swap3A_854 : vector<1x16xf32> to vector<16xf32>
    %swap3A_856 = vector.shape_cast %broadcast_in_dim3A_340 : vector<16xf32> to vector<1x16xf32>
    tpu.vector_store %arg9[%swap3A_852, %swap3A_853], %swap3A_856 {strides = array<i32>} : memref<16x128xf32, #tpu.memory_space<vmem>>, vector<1x16xf32>,
    %swap3A_857 = arith.constant 10 : i32
    %swap3A_858 = arith.index_cast %swap3A_857 : i32 to index
    %swap3A_859 = arith.constant 96 : index
    %swap3A_860 = tpu.vector_load %arg9[%swap3A_858, %swap3A_859] {strides = array<i32>} : memref<16x128xf32, #tpu.memory_space<vmem>>, vector<1x16xf32>,
    %swap3A_861 = vector.shape_cast %swap3A_860 : vector<1x16xf32> to vector<16xf32>
    %swap3A_862 = vector.shape_cast %broadcast_in_dim3A_340 : vector<16xf32> to vector<1x16xf32>
    tpu.vector_store %arg9[%swap3A_858, %swap3A_859], %swap3A_862 {strides = array<i32>} : memref<16x128xf32, #tpu.memory_space<vmem>>, vector<1x16xf32>,
    %swap3A_863 = arith.constant 10 : i32
    %swap3A_864 = arith.index_cast %swap3A_863 : i32 to index
    %swap3A_865 = arith.constant 112 : index
    %swap3A_866 = tpu.vector_load %arg9[%swap3A_864, %swap3A_865] {strides = array<i32>} : memref<16x128xf32, #tpu.memory_space<vmem>>, vector<1x16xf32>,
    %swap3A_867 = vector.shape_cast %swap3A_866 : vector<1x16xf32> to vector<16xf32>
    %swap3A_868 = vector.shape_cast %broadcast_in_dim3A_340 : vector<16xf32> to vector<1x16xf32>
    tpu.vector_store %arg9[%swap3A_864, %swap3A_865], %swap3A_868 {strides = array<i32>} : memref<16x128xf32, #tpu.memory_space<vmem>>, vector<1x16xf32>,
    %swap3A_869 = arith.constant 11 : i32
    %swap3A_870 = arith.index_cast %swap3A_869 : i32 to index
    %swap3A_871 = arith.constant 0 : index
    %swap3A_872 = tpu.vector_load %arg9[%swap3A_870, %swap3A_871] {strides = array<i32>} : memref<16x128xf32, #tpu.memory_space<vmem>>, vector<1x16xf32>,
    %swap3A_873 = vector.shape_cast %swap3A_872 : vector<1x16xf32> to vector<16xf32>
    %swap3A_874 = vector.shape_cast %broadcast_in_dim3A_340 : vector<16xf32> to vector<1x16xf32>
    tpu.vector_store %arg9[%swap3A_870, %swap3A_871], %swap3A_874 {strides = array<i32>} : memref<16x128xf32, #tpu.memory_space<vmem>>, vector<1x16xf32>,
    %swap3A_875 = arith.constant 11 : i32
    %swap3A_876 = arith.index_cast %swap3A_875 : i32 to index
    %swap3A_877 = arith.constant 16 : index
    %swap3A_878 = tpu.vector_load %arg9[%swap3A_876, %swap3A_877] {strides = array<i32>} : memref<16x128xf32, #tpu.memory_space<vmem>>, vector<1x16xf32>,
    %swap3A_879 = vector.shape_cast %swap3A_878 : vector<1x16xf32> to vector<16xf32>
    %swap3A_880 = vector.shape_cast %broadcast_in_dim3A_340 : vector<16xf32> to vector<1x16xf32>
    tpu.vector_store %arg9[%swap3A_876, %swap3A_877], %swap3A_880 {strides = array<i32>} : memref<16x128xf32, #tpu.memory_space<vmem>>, vector<1x16xf32>,
    %swap3A_881 = arith.constant 11 : i32
    %swap3A_882 = arith.index_cast %swap3A_881 : i32 to index
    %swap3A_883 = arith.constant 32 : index
    %swap3A_884 = tpu.vector_load %arg9[%swap3A_882, %swap3A_883] {strides = array<i32>} : memref<16x128xf32, #tpu.memory_space<vmem>>, vector<1x16xf32>,
    %swap3A_885 = vector.shape_cast %swap3A_884 : vector<1x16xf32> to vector<16xf32>
    %swap3A_886 = vector.shape_cast %broadcast_in_dim3A_340 : vector<16xf32> to vector<1x16xf32>
    tpu.vector_store %arg9[%swap3A_882, %swap3A_883], %swap3A_886 {strides = array<i32>} : memref<16x128xf32, #tpu.memory_space<vmem>>, vector<1x16xf32>,
    %swap3A_887 = arith.constant 11 : i32
    %swap3A_888 = arith.index_cast %swap3A_887 : i32 to index
    %swap3A_889 = arith.constant 48 : index
    %swap3A_890 = tpu.vector_load %arg9[%swap3A_888, %swap3A_889] {strides = array<i32>} : memref<16x128xf32, #tpu.memory_space<vmem>>, vector<1x16xf32>,
    %swap3A_891 = vector.shape_cast %swap3A_890 : vector<1x16xf32> to vector<16xf32>
    %swap3A_892 = vector.shape_cast %broadcast_in_dim3A_340 : vector<16xf32> to vector<1x16xf32>
    tpu.vector_store %arg9[%swap3A_888, %swap3A_889], %swap3A_892 {strides = array<i32>} : memref<16x128xf32, #tpu.memory_space<vmem>>, vector<1x16xf32>,
    %swap3A_893 = arith.constant 11 : i32
    %swap3A_894 = arith.index_cast %swap3A_893 : i32 to index
    %swap3A_895 = arith.constant 64 : index
    %swap3A_896 = tpu.vector_load %arg9[%swap3A_894, %swap3A_895] {strides = array<i32>} : memref<16x128xf32, #tpu.memory_space<vmem>>, vector<1x16xf32>,
    %swap3A_897 = vector.shape_cast %swap3A_896 : vector<1x16xf32> to vector<16xf32>
    %swap3A_898 = vector.shape_cast %broadcast_in_dim3A_340 : vector<16xf32> to vector<1x16xf32>
    tpu.vector_store %arg9[%swap3A_894, %swap3A_895], %swap3A_898 {strides = array<i32>} : memref<16x128xf32, #tpu.memory_space<vmem>>, vector<1x16xf32>,
    %swap3A_899 = arith.constant 11 : i32
    %swap3A_900 = arith.index_cast %swap3A_899 : i32 to index
    %swap3A_901 = arith.constant 80 : index
    %swap3A_902 = tpu.vector_load %arg9[%swap3A_900, %swap3A_901] {strides = array<i32>} : memref<16x128xf32, #tpu.memory_space<vmem>>, vector<1x16xf32>,
    %swap3A_903 = vector.shape_cast %swap3A_902 : vector<1x16xf32> to vector<16xf32>
    %swap3A_904 = vector.shape_cast %broadcast_in_dim3A_340 : vector<16xf32> to vector<1x16xf32>
    tpu.vector_store %arg9[%swap3A_900, %swap3A_901], %swap3A_904 {strides = array<i32>} : memref<16x128xf32, #tpu.memory_space<vmem>>, vector<1x16xf32>,
    %swap3A_905 = arith.constant 11 : i32
    %swap3A_906 = arith.index_cast %swap3A_905 : i32 to index
    %swap3A_907 = arith.constant 96 : index
    %swap3A_908 = tpu.vector_load %arg9[%swap3A_906, %swap3A_907] {strides = array<i32>} : memref<16x128xf32, #tpu.memory_space<vmem>>, vector<1x16xf32>,
    %swap3A_909 = vector.shape_cast %swap3A_908 : vector<1x16xf32> to vector<16xf32>
    %swap3A_910 = vector.shape_cast %broadcast_in_dim3A_340 : vector<16xf32> to vector<1x16xf32>
    tpu.vector_store %arg9[%swap3A_906, %swap3A_907], %swap3A_910 {strides = array<i32>} : memref<16x128xf32, #tpu.memory_space<vmem>>, vector<1x16xf32>,
    %swap3A_911 = arith.constant 11 : i32
    %swap3A_912 = arith.index_cast %swap3A_911 : i32 to index
    %swap3A_913 = arith.constant 112 : index
    %swap3A_914 = tpu.vector_load %arg9[%swap3A_912, %swap3A_913] {strides = array<i32>} : memref<16x128xf32, #tpu.memory_space<vmem>>, vector<1x16xf32>,
    %swap3A_915 = vector.shape_cast %swap3A_914 : vector<1x16xf32> to vector<16xf32>
    %swap3A_916 = vector.shape_cast %broadcast_in_dim3A_340 : vector<16xf32> to vector<1x16xf32>
    tpu.vector_store %arg9[%swap3A_912, %swap3A_913], %swap3A_916 {strides = array<i32>} : memref<16x128xf32, #tpu.memory_space<vmem>>, vector<1x16xf32>,
    %swap3A_917 = arith.constant 12 : i32
    %swap3A_918 = arith.index_cast %swap3A_917 : i32 to index
    %swap3A_919 = arith.constant 0 : index
    %swap3A_920 = tpu.vector_load %arg9[%swap3A_918, %swap3A_919] {strides = array<i32>} : memref<16x128xf32, #tpu.memory_space<vmem>>, vector<1x16xf32>,
    %swap3A_921 = vector.shape_cast %swap3A_920 : vector<1x16xf32> to vector<16xf32>
    %swap3A_922 = vector.shape_cast %broadcast_in_dim3A_340 : vector<16xf32> to vector<1x16xf32>
    tpu.vector_store %arg9[%swap3A_918, %swap3A_919], %swap3A_922 {strides = array<i32>} : memref<16x128xf32, #tpu.memory_space<vmem>>, vector<1x16xf32>,
    %swap3A_923 = arith.constant 12 : i32
    %swap3A_924 = arith.index_cast %swap3A_923 : i32 to index
    %swap3A_925 = arith.constant 16 : index
    %swap3A_926 = tpu.vector_load %arg9[%swap3A_924, %swap3A_925] {strides = array<i32>} : memref<16x128xf32, #tpu.memory_space<vmem>>, vector<1x16xf32>,
    %swap3A_927 = vector.shape_cast %swap3A_926 : vector<1x16xf32> to vector<16xf32>
    %swap3A_928 = vector.shape_cast %broadcast_in_dim3A_340 : vector<16xf32> to vector<1x16xf32>
    tpu.vector_store %arg9[%swap3A_924, %swap3A_925], %swap3A_928 {strides = array<i32>} : memref<16x128xf32, #tpu.memory_space<vmem>>, vector<1x16xf32>,
    %swap3A_929 = arith.constant 12 : i32
    %swap3A_930 = arith.index_cast %swap3A_929 : i32 to index
    %swap3A_931 = arith.constant 32 : index
    %swap3A_932 = tpu.vector_load %arg9[%swap3A_930, %swap3A_931] {strides = array<i32>} : memref<16x128xf32, #tpu.memory_space<vmem>>, vector<1x16xf32>,
    %swap3A_933 = vector.shape_cast %swap3A_932 : vector<1x16xf32> to vector<16xf32>
    %swap3A_934 = vector.shape_cast %broadcast_in_dim3A_340 : vector<16xf32> to vector<1x16xf32>
    tpu.vector_store %arg9[%swap3A_930, %swap3A_931], %swap3A_934 {strides = array<i32>} : memref<16x128xf32, #tpu.memory_space<vmem>>, vector<1x16xf32>,
    %swap3A_935 = arith.constant 12 : i32
    %swap3A_936 = arith.index_cast %swap3A_935 : i32 to index
    %swap3A_937 = arith.constant 48 : index
    %swap3A_938 = tpu.vector_load %arg9[%swap3A_936, %swap3A_937] {strides = array<i32>} : memref<16x128xf32, #tpu.memory_space<vmem>>, vector<1x16xf32>,
    %swap3A_939 = vector.shape_cast %swap3A_938 : vector<1x16xf32> to vector<16xf32>
    %swap3A_940 = vector.shape_cast %broadcast_in_dim3A_340 : vector<16xf32> to vector<1x16xf32>
    tpu.vector_store %arg9[%swap3A_936, %swap3A_937], %swap3A_940 {strides = array<i32>} : memref<16x128xf32, #tpu.memory_space<vmem>>, vector<1x16xf32>,
    %swap3A_941 = arith.constant 12 : i32
    %swap3A_942 = arith.index_cast %swap3A_941 : i32 to index
    %swap3A_943 = arith.constant 64 : index
    %swap3A_944 = tpu.vector_load %arg9[%swap3A_942, %swap3A_943] {strides = array<i32>} : memref<16x128xf32, #tpu.memory_space<vmem>>, vector<1x16xf32>,
    %swap3A_945 = vector.shape_cast %swap3A_944 : vector<1x16xf32> to vector<16xf32>
    %swap3A_946 = vector.shape_cast %broadcast_in_dim3A_340 : vector<16xf32> to vector<1x16xf32>
    tpu.vector_store %arg9[%swap3A_942, %swap3A_943], %swap3A_946 {strides = array<i32>} : memref<16x128xf32, #tpu.memory_space<vmem>>, vector<1x16xf32>,
    %swap3A_947 = arith.constant 12 : i32
    %swap3A_948 = arith.index_cast %swap3A_947 : i32 to index
    %swap3A_949 = arith.constant 80 : index
    %swap3A_950 = tpu.vector_load %arg9[%swap3A_948, %swap3A_949] {strides = array<i32>} : memref<16x128xf32, #tpu.memory_space<vmem>>, vector<1x16xf32>,
    %swap3A_951 = vector.shape_cast %swap3A_950 : vector<1x16xf32> to vector<16xf32>
    %swap3A_952 = vector.shape_cast %broadcast_in_dim3A_340 : vector<16xf32> to vector<1x16xf32>
    tpu.vector_store %arg9[%swap3A_948, %swap3A_949], %swap3A_952 {strides = array<i32>} : memref<16x128xf32, #tpu.memory_space<vmem>>, vector<1x16xf32>,
    %swap3A_953 = arith.constant 12 : i32
    %swap3A_954 = arith.index_cast %swap3A_953 : i32 to index
    %swap3A_955 = arith.constant 96 : index
    %swap3A_956 = tpu.vector_load %arg9[%swap3A_954, %swap3A_955] {strides = array<i32>} : memref<16x128xf32, #tpu.memory_space<vmem>>, vector<1x16xf32>,
    %swap3A_957 = vector.shape_cast %swap3A_956 : vector<1x16xf32> to vector<16xf32>
    %swap3A_958 = vector.shape_cast %broadcast_in_dim3A_340 : vector<16xf32> to vector<1x16xf32>
    tpu.vector_store %arg9[%swap3A_954, %swap3A_955], %swap3A_958 {strides = array<i32>} : memref<16x128xf32, #tpu.memory_space<vmem>>, vector<1x16xf32>,
    %swap3A_959 = arith.constant 12 : i32
    %swap3A_960 = arith.index_cast %swap3A_959 : i32 to index
    %swap3A_961 = arith.constant 112 : index
    %swap3A_962 = tpu.vector_load %arg9[%swap3A_960, %swap3A_961] {strides = array<i32>} : memref<16x128xf32, #tpu.memory_space<vmem>>, vector<1x16xf32>,
    %swap3A_963 = vector.shape_cast %swap3A_962 : vector<1x16xf32> to vector<16xf32>
    %swap3A_964 = vector.shape_cast %broadcast_in_dim3A_340 : vector<16xf32> to vector<1x16xf32>
    tpu.vector_store %arg9[%swap3A_960, %swap3A_961], %swap3A_964 {strides = array<i32>} : memref<16x128xf32, #tpu.memory_space<vmem>>, vector<1x16xf32>,
    %swap3A_965 = arith.constant 13 : i32
    %swap3A_966 = arith.index_cast %swap3A_965 : i32 to index
    %swap3A_967 = arith.constant 0 : index
    %swap3A_968 = tpu.vector_load %arg9[%swap3A_966, %swap3A_967] {strides = array<i32>} : memref<16x128xf32, #tpu.memory_space<vmem>>, vector<1x16xf32>,
    %swap3A_969 = vector.shape_cast %swap3A_968 : vector<1x16xf32> to vector<16xf32>
    %swap3A_970 = vector.shape_cast %broadcast_in_dim3A_340 : vector<16xf32> to vector<1x16xf32>
    tpu.vector_store %arg9[%swap3A_966, %swap3A_967], %swap3A_970 {strides = array<i32>} : memref<16x128xf32, #tpu.memory_space<vmem>>, vector<1x16xf32>,
    %swap3A_971 = arith.constant 13 : i32
    %swap3A_972 = arith.index_cast %swap3A_971 : i32 to index
    %swap3A_973 = arith.constant 16 : index
    %swap3A_974 = tpu.vector_load %arg9[%swap3A_972, %swap3A_973] {strides = array<i32>} : memref<16x128xf32, #tpu.memory_space<vmem>>, vector<1x16xf32>,
    %swap3A_975 = vector.shape_cast %swap3A_974 : vector<1x16xf32> to vector<16xf32>
    %swap3A_976 = vector.shape_cast %broadcast_in_dim3A_340 : vector<16xf32> to vector<1x16xf32>
    tpu.vector_store %arg9[%swap3A_972, %swap3A_973], %swap3A_976 {strides = array<i32>} : memref<16x128xf32, #tpu.memory_space<vmem>>, vector<1x16xf32>,
    %swap3A_977 = arith.constant 13 : i32
    %swap3A_978 = arith.index_cast %swap3A_977 : i32 to index
    %swap3A_979 = arith.constant 32 : index
    %swap3A_980 = tpu.vector_load %arg9[%swap3A_978, %swap3A_979] {strides = array<i32>} : memref<16x128xf32, #tpu.memory_space<vmem>>, vector<1x16xf32>,
    %swap3A_981 = vector.shape_cast %swap3A_980 : vector<1x16xf32> to vector<16xf32>
    %swap3A_982 = vector.shape_cast %broadcast_in_dim3A_340 : vector<16xf32> to vector<1x16xf32>
    tpu.vector_store %arg9[%swap3A_978, %swap3A_979], %swap3A_982 {strides = array<i32>} : memref<16x128xf32, #tpu.memory_space<vmem>>, vector<1x16xf32>,
    %swap3A_983 = arith.constant 13 : i32
    %swap3A_984 = arith.index_cast %swap3A_983 : i32 to index
    %swap3A_985 = arith.constant 48 : index
    %swap3A_986 = tpu.vector_load %arg9[%swap3A_984, %swap3A_985] {strides = array<i32>} : memref<16x128xf32, #tpu.memory_space<vmem>>, vector<1x16xf32>,
    %swap3A_987 = vector.shape_cast %swap3A_986 : vector<1x16xf32> to vector<16xf32>
    %swap3A_988 = vector.shape_cast %broadcast_in_dim3A_340 : vector<16xf32> to vector<1x16xf32>
    tpu.vector_store %arg9[%swap3A_984, %swap3A_985], %swap3A_988 {strides = array<i32>} : memref<16x128xf32, #tpu.memory_space<vmem>>, vector<1x16xf32>,
    %swap3A_989 = arith.constant 13 : i32
    %swap3A_990 = arith.index_cast %swap3A_989 : i32 to index
    %swap3A_991 = arith.constant 64 : index
    %swap3A_992 = tpu.vector_load %arg9[%swap3A_990, %swap3A_991] {strides = array<i32>} : memref<16x128xf32, #tpu.memory_space<vmem>>, vector<1x16xf32>,
    %swap3A_993 = vector.shape_cast %swap3A_992 : vector<1x16xf32> to vector<16xf32>
    %swap3A_994 = vector.shape_cast %broadcast_in_dim3A_340 : vector<16xf32> to vector<1x16xf32>
    tpu.vector_store %arg9[%swap3A_990, %swap3A_991], %swap3A_994 {strides = array<i32>} : memref<16x128xf32, #tpu.memory_space<vmem>>, vector<1x16xf32>,
    %swap3A_995 = arith.constant 13 : i32
    %swap3A_996 = arith.index_cast %swap3A_995 : i32 to index
    %swap3A_997 = arith.constant 80 : index
    %swap3A_998 = tpu.vector_load %arg9[%swap3A_996, %swap3A_997] {strides = array<i32>} : memref<16x128xf32, #tpu.memory_space<vmem>>, vector<1x16xf32>,
    %swap3A_999 = vector.shape_cast %swap3A_998 : vector<1x16xf32> to vector<16xf32>
    %swap3A_1000 = vector.shape_cast %broadcast_in_dim3A_340 : vector<16xf32> to vector<1x16xf32>
    tpu.vector_store %arg9[%swap3A_996, %swap3A_997], %swap3A_1000 {strides = array<i32>} : memref<16x128xf32, #tpu.memory_space<vmem>>, vector<1x16xf32>,
    %swap3A_1001 = arith.constant 13 : i32
    %swap3A_1002 = arith.index_cast %swap3A_1001 : i32 to index
    %swap3A_1003 = arith.constant 96 : index
    %swap3A_1004 = tpu.vector_load %arg9[%swap3A_1002, %swap3A_1003] {strides = array<i32>} : memref<16x128xf32, #tpu.memory_space<vmem>>, vector<1x16xf32>,
    %swap3A_1005 = vector.shape_cast %swap3A_1004 : vector<1x16xf32> to vector<16xf32>
    %swap3A_1006 = vector.shape_cast %broadcast_in_dim3A_340 : vector<16xf32> to vector<1x16xf32>
    tpu.vector_store %arg9[%swap3A_1002, %swap3A_1003], %swap3A_1006 {strides = array<i32>} : memref<16x128xf32, #tpu.memory_space<vmem>>, vector<1x16xf32>,
    %swap3A_1007 = arith.constant 13 : i32
    %swap3A_1008 = arith.index_cast %swap3A_1007 : i32 to index
    %swap3A_1009 = arith.constant 112 : index
    %swap3A_1010 = tpu.vector_load %arg9[%swap3A_1008, %swap3A_1009] {strides = array<i32>} : memref<16x128xf32, #tpu.memory_space<vmem>>, vector<1x16xf32>,
    %swap3A_1011 = vector.shape_cast %swap3A_1010 : vector<1x16xf32> to vector<16xf32>
    %swap3A_1012 = vector.shape_cast %broadcast_in_dim3A_340 : vector<16xf32> to vector<1x16xf32>
    tpu.vector_store %arg9[%swap3A_1008, %swap3A_1009], %swap3A_1012 {strides = array<i32>} : memref<16x128xf32, #tpu.memory_space<vmem>>, vector<1x16xf32>,
    %swap3A_1013 = arith.constant 14 : i32
    %swap3A_1014 = arith.index_cast %swap3A_1013 : i32 to index
    %swap3A_1015 = arith.constant 0 : index
    %swap3A_1016 = tpu.vector_load %arg9[%swap3A_1014, %swap3A_1015] {strides = array<i32>} : memref<16x128xf32, #tpu.memory_space<vmem>>, vector<1x16xf32>,
    %swap3A_1017 = vector.shape_cast %swap3A_1016 : vector<1x16xf32> to vector<16xf32>
    %swap3A_1018 = vector.shape_cast %broadcast_in_dim3A_340 : vector<16xf32> to vector<1x16xf32>
    tpu.vector_store %arg9[%swap3A_1014, %swap3A_1015], %swap3A_1018 {strides = array<i32>} : memref<16x128xf32, #tpu.memory_space<vmem>>, vector<1x16xf32>,
    %swap3A_1019 = arith.constant 14 : i32
    %swap3A_1020 = arith.index_cast %swap3A_1019 : i32 to index
    %swap3A_1021 = arith.constant 16 : index
    %swap3A_1022 = tpu.vector_load %arg9[%swap3A_1020, %swap3A_1021] {strides = array<i32>} : memref<16x128xf32, #tpu.memory_space<vmem>>, vector<1x16xf32>,
    %swap3A_1023 = vector.shape_cast %swap3A_1022 : vector<1x16xf32> to vector<16xf32>
    %swap3A_1024 = vector.shape_cast %broadcast_in_dim3A_340 : vector<16xf32> to vector<1x16xf32>
    tpu.vector_store %arg9[%swap3A_1020, %swap3A_1021], %swap3A_1024 {strides = array<i32>} : memref<16x128xf32, #tpu.memory_space<vmem>>, vector<1x16xf32>,
    %swap3A_1025 = arith.constant 14 : i32
    %swap3A_1026 = arith.index_cast %swap3A_1025 : i32 to index
    %swap3A_1027 = arith.constant 32 : index
    %swap3A_1028 = tpu.vector_load %arg9[%swap3A_1026, %swap3A_1027] {strides = array<i32>} : memref<16x128xf32, #tpu.memory_space<vmem>>, vector<1x16xf32>,
    %swap3A_1029 = vector.shape_cast %swap3A_1028 : vector<1x16xf32> to vector<16xf32>
    %swap3A_1030 = vector.shape_cast %broadcast_in_dim3A_340 : vector<16xf32> to vector<1x16xf32>
    tpu.vector_store %arg9[%swap3A_1026, %swap3A_1027], %swap3A_1030 {strides = array<i32>} : memref<16x128xf32, #tpu.memory_space<vmem>>, vector<1x16xf32>,
    %swap3A_1031 = arith.constant 14 : i32
    %swap3A_1032 = arith.index_cast %swap3A_1031 : i32 to index
    %swap3A_1033 = arith.constant 48 : index
    %swap3A_1034 = tpu.vector_load %arg9[%swap3A_1032, %swap3A_1033] {strides = array<i32>} : memref<16x128xf32, #tpu.memory_space<vmem>>, vector<1x16xf32>,
    %swap3A_1035 = vector.shape_cast %swap3A_1034 : vector<1x16xf32> to vector<16xf32>
    %swap3A_1036 = vector.shape_cast %broadcast_in_dim3A_340 : vector<16xf32> to vector<1x16xf32>
    tpu.vector_store %arg9[%swap3A_1032, %swap3A_1033], %swap3A_1036 {strides = array<i32>} : memref<16x128xf32, #tpu.memory_space<vmem>>, vector<1x16xf32>,
    %swap3A_1037 = arith.constant 14 : i32
    %swap3A_1038 = arith.index_cast %swap3A_1037 : i32 to index
    %swap3A_1039 = arith.constant 64 : index
    %swap3A_1040 = tpu.vector_load %arg9[%swap3A_1038, %swap3A_1039] {strides = array<i32>} : memref<16x128xf32, #tpu.memory_space<vmem>>, vector<1x16xf32>,
    %swap3A_1041 = vector.shape_cast %swap3A_1040 : vector<1x16xf32> to vector<16xf32>
    %swap3A_1042 = vector.shape_cast %broadcast_in_dim3A_340 : vector<16xf32> to vector<1x16xf32>
    tpu.vector_store %arg9[%swap3A_1038, %swap3A_1039], %swap3A_1042 {strides = array<i32>} : memref<16x128xf32, #tpu.memory_space<vmem>>, vector<1x16xf32>,
    %swap3A_1043 = arith.constant 14 : i32
    %swap3A_1044 = arith.index_cast %swap3A_1043 : i32 to index
    %swap3A_1045 = arith.constant 80 : index
    %swap3A_1046 = tpu.vector_load %arg9[%swap3A_1044, %swap3A_1045] {strides = array<i32>} : memref<16x128xf32, #tpu.memory_space<vmem>>, vector<1x16xf32>,
    %swap3A_1047 = vector.shape_cast %swap3A_1046 : vector<1x16xf32> to vector<16xf32>
    %swap3A_1048 = vector.shape_cast %broadcast_in_dim3A_340 : vector<16xf32> to vector<1x16xf32>
    tpu.vector_store %arg9[%swap3A_1044, %swap3A_1045], %swap3A_1048 {strides = array<i32>} : memref<16x128xf32, #tpu.memory_space<vmem>>, vector<1x16xf32>,
    %swap3A_1049 = arith.constant 14 : i32
    %swap3A_1050 = arith.index_cast %swap3A_1049 : i32 to index
    %swap3A_1051 = arith.constant 96 : index
    %swap3A_1052 = tpu.vector_load %arg9[%swap3A_1050, %swap3A_1051] {strides = array<i32>} : memref<16x128xf32, #tpu.memory_space<vmem>>, vector<1x16xf32>,
    %swap3A_1053 = vector.shape_cast %swap3A_1052 : vector<1x16xf32> to vector<16xf32>
    %swap3A_1054 = vector.shape_cast %broadcast_in_dim3A_340 : vector<16xf32> to vector<1x16xf32>
    tpu.vector_store %arg9[%swap3A_1050, %swap3A_1051], %swap3A_1054 {strides = array<i32>} : memref<16x128xf32, #tpu.memory_space<vmem>>, vector<1x16xf32>,
    %swap3A_1055 = arith.constant 14 : i32
    %swap3A_1056 = arith.index_cast %swap3A_1055 : i32 to index
    %swap3A_1057 = arith.constant 112 : index
    %swap3A_1058 = tpu.vector_load %arg9[%swap3A_1056, %swap3A_1057] {strides = array<i32>} : memref<16x128xf32, #tpu.memory_space<vmem>>, vector<1x16xf32>,
    %swap3A_1059 = vector.shape_cast %swap3A_1058 : vector<1x16xf32> to vector<16xf32>
    %swap3A_1060 = vector.shape_cast %broadcast_in_dim3A_340 : vector<16xf32> to vector<1x16xf32>
    tpu.vector_store %arg9[%swap3A_1056, %swap3A_1057], %swap3A_1060 {strides = array<i32>} : memref<16x128xf32, #tpu.memory_space<vmem>>, vector<1x16xf32>,
    %swap3A_1061 = arith.constant 15 : i32
    %swap3A_1062 = arith.index_cast %swap3A_1061 : i32 to index
    %swap3A_1063 = arith.constant 0 : index
    %swap3A_1064 = tpu.vector_load %arg9[%swap3A_1062, %swap3A_1063] {strides = array<i32>} : memref<16x128xf32, #tpu.memory_space<vmem>>, vector<1x16xf32>,
    %swap3A_1065 = vector.shape_cast %swap3A_1064 : vector<1x16xf32> to vector<16xf32>
    %swap3A_1066 = vector.shape_cast %broadcast_in_dim3A_340 : vector<16xf32> to vector<1x16xf32>
    tpu.vector_store %arg9[%swap3A_1062, %swap3A_1063], %swap3A_1066 {strides = array<i32>} : memref<16x128xf32, #tpu.memory_space<vmem>>, vector<1x16xf32>,
    %swap3A_1067 = arith.constant 15 : i32
    %swap3A_1068 = arith.index_cast %swap3A_1067 : i32 to index
    %swap3A_1069 = arith.constant 16 : index
    %swap3A_1070 = tpu.vector_load %arg9[%swap3A_1068, %swap3A_1069] {strides = array<i32>} : memref<16x128xf32, #tpu.memory_space<vmem>>, vector<1x16xf32>,
    %swap3A_1071 = vector.shape_cast %swap3A_1070 : vector<1x16xf32> to vector<16xf32>
    %swap3A_1072 = vector.shape_cast %broadcast_in_dim3A_340 : vector<16xf32> to vector<1x16xf32>
    tpu.vector_store %arg9[%swap3A_1068, %swap3A_1069], %swap3A_1072 {strides = array<i32>} : memref<16x128xf32, #tpu.memory_space<vmem>>, vector<1x16xf32>,
    %swap3A_1073 = arith.constant 15 : i32
    %swap3A_1074 = arith.index_cast %swap3A_1073 : i32 to index
    %swap3A_1075 = arith.constant 32 : index
    %swap3A_1076 = tpu.vector_load %arg9[%swap3A_1074, %swap3A_1075] {strides = array<i32>} : memref<16x128xf32, #tpu.memory_space<vmem>>, vector<1x16xf32>,
    %swap3A_1077 = vector.shape_cast %swap3A_1076 : vector<1x16xf32> to vector<16xf32>
    %swap3A_1078 = vector.shape_cast %broadcast_in_dim3A_340 : vector<16xf32> to vector<1x16xf32>
    tpu.vector_store %arg9[%swap3A_1074, %swap3A_1075], %swap3A_1078 {strides = array<i32>} : memref<16x128xf32, #tpu.memory_space<vmem>>, vector<1x16xf32>,
    %swap3A_1079 = arith.constant 15 : i32
    %swap3A_1080 = arith.index_cast %swap3A_1079 : i32 to index
    %swap3A_1081 = arith.constant 48 : index
    %swap3A_1082 = tpu.vector_load %arg9[%swap3A_1080, %swap3A_1081] {strides = array<i32>} : memref<16x128xf32, #tpu.memory_space<vmem>>, vector<1x16xf32>,
    %swap3A_1083 = vector.shape_cast %swap3A_1082 : vector<1x16xf32> to vector<16xf32>
    %swap3A_1084 = vector.shape_cast %broadcast_in_dim3A_340 : vector<16xf32> to vector<1x16xf32>
    tpu.vector_store %arg9[%swap3A_1080, %swap3A_1081], %swap3A_1084 {strides = array<i32>} : memref<16x128xf32, #tpu.memory_space<vmem>>, vector<1x16xf32>,
    %swap3A_1085 = arith.constant 15 : i32
    %swap3A_1086 = arith.index_cast %swap3A_1085 : i32 to index
    %swap3A_1087 = arith.constant 64 : index
    %swap3A_1088 = tpu.vector_load %arg9[%swap3A_1086, %swap3A_1087] {strides = array<i32>} : memref<16x128xf32, #tpu.memory_space<vmem>>, vector<1x16xf32>,
    %swap3A_1089 = vector.shape_cast %swap3A_1088 : vector<1x16xf32> to vector<16xf32>
    %swap3A_1090 = vector.shape_cast %broadcast_in_dim3A_340 : vector<16xf32> to vector<1x16xf32>
    tpu.vector_store %arg9[%swap3A_1086, %swap3A_1087], %swap3A_1090 {strides = array<i32>} : memref<16x128xf32, #tpu.memory_space<vmem>>, vector<1x16xf32>,
    %swap3A_1091 = arith.constant 15 : i32
    %swap3A_1092 = arith.index_cast %swap3A_1091 : i32 to index
    %swap3A_1093 = arith.constant 80 : index
    %swap3A_1094 = tpu.vector_load %arg9[%swap3A_1092, %swap3A_1093] {strides = array<i32>} : memref<16x128xf32, #tpu.memory_space<vmem>>, vector<1x16xf32>,
    %swap3A_1095 = vector.shape_cast %swap3A_1094 : vector<1x16xf32> to vector<16xf32>
    %swap3A_1096 = vector.shape_cast %broadcast_in_dim3A_340 : vector<16xf32> to vector<1x16xf32>
    tpu.vector_store %arg9[%swap3A_1092, %swap3A_1093], %swap3A_1096 {strides = array<i32>} : memref<16x128xf32, #tpu.memory_space<vmem>>, vector<1x16xf32>,
    %swap3A_1097 = arith.constant 15 : i32
    %swap3A_1098 = arith.index_cast %swap3A_1097 : i32 to index
    %swap3A_1099 = arith.constant 96 : index
    %swap3A_1100 = tpu.vector_load %arg9[%swap3A_1098, %swap3A_1099] {strides = array<i32>} : memref<16x128xf32, #tpu.memory_space<vmem>>, vector<1x16xf32>,
    %swap3A_1101 = vector.shape_cast %swap3A_1100 : vector<1x16xf32> to vector<16xf32>
    %swap3A_1102 = vector.shape_cast %broadcast_in_dim3A_340 : vector<16xf32> to vector<1x16xf32>
    tpu.vector_store %arg9[%swap3A_1098, %swap3A_1099], %swap3A_1102 {strides = array<i32>} : memref<16x128xf32, #tpu.memory_space<vmem>>, vector<1x16xf32>,
    %swap3A_1103 = arith.constant 15 : i32
    %swap3A_1104 = arith.index_cast %swap3A_1103 : i32 to index
    %swap3A_1105 = arith.constant 112 : index
    %swap3A_1106 = tpu.vector_load %arg9[%swap3A_1104, %swap3A_1105] {strides = array<i32>} : memref<16x128xf32, #tpu.memory_space<vmem>>, vector<1x16xf32>,
    %swap3A_1107 = vector.shape_cast %swap3A_1106 : vector<1x16xf32> to vector<16xf32>
    %swap3A_1108 = vector.shape_cast %broadcast_in_dim3A_340 : vector<16xf32> to vector<1x16xf32>
    tpu.vector_store %arg9[%swap3A_1104, %swap3A_1105], %swap3A_1108 {strides = array<i32>} : memref<16x128xf32, #tpu.memory_space<vmem>>, vector<1x16xf32>,
    %mul3A_1109 = arith.constant 16 : i32
    %mul3A_1110 = arith.muli %arg1, %mul3A_1109 : i32
    "tpu.region"() ({
      %run_scoped3A_1166 = tpu.sem_alloc : memref<!tpu.dma_semaphore, #tpu.memory_space<semaphore_mem>>
      %dma_start3A_1167 = arith.constant 0 : i32
      %dma_start3A_1168 = tpu.memref_slice %arg10[%mul3A_1110, %dma_start3A_1167] : memref<256x128xf32, #tpu.memory_space<vmem_shared>> -> memref<16x128xf32, #tpu.memory_space<vmem_shared>>
      %dma_start3A_1169 = arith.constant 0 : i32
      %dma_start3A_1170 = tpu.memref_slice %arg10[%mul3A_1110, %dma_start3A_1169] : memref<256x128xf32, #tpu.memory_space<vmem_shared>> -> memref<16x128xf32, #tpu.memory_space<vmem_shared>>
      tpu.enqueue_dma source(%arg9 : memref<16x128xf32, #tpu.memory_space<vmem>>) target(%dma_start3A_1170 : memref<16x128xf32, #tpu.memory_space<vmem_shared>>) target_semaphore(%run_scoped3A_1166 : memref<!tpu.dma_semaphore, #tpu.memory_space<semaphore_mem>>)
      %dma_wait3A_1171 = arith.constant 0 : i32
      %dma_wait3A_1172 = tpu.memref_slice %arg10[%mul3A_1110, %dma_wait3A_1171] : memref<256x128xf32, #tpu.memory_space<vmem_shared>> -> memref<16x128xf32, #tpu.memory_space<vmem_shared>>
      %dma_wait3A_1173 = arith.constant 0 : i32
      %dma_wait3A_1174 = tpu.memref_slice %arg10[%mul3A_1110, %dma_wait3A_1173] : memref<256x128xf32, #tpu.memory_space<vmem_shared>> -> memref<16x128xf32, #tpu.memory_space<vmem_shared>>
      tpu.wait_dma2 semaphore(%run_scoped3A_1166 : memref<!tpu.dma_semaphore, #tpu.memory_space<semaphore_mem>>) src(%arg9 : memref<16x128xf32, #tpu.memory_space<vmem>>) dst(%dma_wait3A_1174 : memref<16x128xf32, #tpu.memory_space<vmem_shared>>)
      tpu.yield
    }) : () -> ()
    %dma_wait3A = arith.constant 0 : i32
    %dma_wait3A_1111 = tpu.memref_slice %arg2[%add3A_4, %dma_wait3A] : memref<32768x128xf32, #tpu.memory_space<hbm>> -> memref<128x128xf32, #tpu.memory_space<hbm>>
    %dma_wait3A_1112 = arith.constant 0 : i32
    %dma_wait3A_1113 = tpu.memref_slice %arg2[%add3A_4, %dma_wait3A_1112] : memref<32768x128xf32, #tpu.memory_space<hbm>> -> memref<128x128xf32, #tpu.memory_space<hbm>>
    tpu.wait_dma2 semaphore(%arg11 : memref<!tpu.dma_semaphore, #tpu.memory_space<semaphore_mem>>) src(%dma_wait3A_1113 : memref<128x128xf32, #tpu.memory_space<hbm>>) dst(%arg6 : memref<128x128xf32, #tpu.memory_space<vmem>>)
    %dma_start3A_1114 = arith.constant 0 : i32
    %dma_start3A_1115 = arith.constant 0 : i32
    %dma_start3A_1116 = tpu.memref_slice %arg5[%dma_start3A_1114, %dma_start3A_1115] : memref<3x128xi32, #tpu.memory_space<vmem>> -> memref<1x128xi32, #tpu.memory_space<vmem>>
    %dma_start3A_1117 = tpu.memref_squeeze %dma_start3A_1116 : memref<1x128xi32, #tpu.memory_space<vmem>> -> memref<128xi32, #tpu.memory_space<vmem>>
    %dma_start3A_1118 = arith.constant 0 : i32
    %dma_start3A_1119 = arith.constant 0 : i32
    %dma_start3A_1120 = tpu.memref_slice %arg10[%dma_start3A_1118, %dma_start3A_1119] : memref<256x128xf32, #tpu.memory_space<vmem_shared>> -> memref<256x128xf32, #tpu.memory_space<vmem_shared>>
    tpu.enqueue_indirect_dma source(%arg6 : memref<128x128xf32, #tpu.memory_space<vmem>>) target(%dma_start3A_1120 : memref<256x128xf32, #tpu.memory_space<vmem_shared>>) offsets(%dma_start3A_1117 : memref<128xi32, #tpu.memory_space<vmem>>) semaphore(%arg14 : memref<!tpu.dma_semaphore, #tpu.memory_space<semaphore_mem>>) {add = true}
    %dma_wait3A_1121 = arith.constant 0 : i32
    %dma_wait3A_1122 = tpu.memref_slice %arg2[%add3A_9, %dma_wait3A_1121] : memref<32768x128xf32, #tpu.memory_space<hbm>> -> memref<128x128xf32, #tpu.memory_space<hbm>>
    %dma_wait3A_1123 = arith.constant 0 : i32
    %dma_wait3A_1124 = tpu.memref_slice %arg2[%add3A_9, %dma_wait3A_1123] : memref<32768x128xf32, #tpu.memory_space<hbm>> -> memref<128x128xf32, #tpu.memory_space<hbm>>
    tpu.wait_dma2 semaphore(%arg12 : memref<!tpu.dma_semaphore, #tpu.memory_space<semaphore_mem>>) src(%dma_wait3A_1124 : memref<128x128xf32, #tpu.memory_space<hbm>>) dst(%arg7 : memref<128x128xf32, #tpu.memory_space<vmem>>)
    %dma_start3A_1125 = arith.constant 1 : i32
    %dma_start3A_1126 = arith.constant 0 : i32
    %dma_start3A_1127 = tpu.memref_slice %arg5[%dma_start3A_1125, %dma_start3A_1126] : memref<3x128xi32, #tpu.memory_space<vmem>> -> memref<1x128xi32, #tpu.memory_space<vmem>>
    %dma_start3A_1128 = tpu.memref_squeeze %dma_start3A_1127 : memref<1x128xi32, #tpu.memory_space<vmem>> -> memref<128xi32, #tpu.memory_space<vmem>>
    %dma_start3A_1129 = arith.constant 0 : i32
    %dma_start3A_1130 = arith.constant 0 : i32
    %dma_start3A_1131 = tpu.memref_slice %arg10[%dma_start3A_1129, %dma_start3A_1130] : memref<256x128xf32, #tpu.memory_space<vmem_shared>> -> memref<256x128xf32, #tpu.memory_space<vmem_shared>>
    tpu.enqueue_indirect_dma source(%arg7 : memref<128x128xf32, #tpu.memory_space<vmem>>) target(%dma_start3A_1131 : memref<256x128xf32, #tpu.memory_space<vmem_shared>>) offsets(%dma_start3A_1128 : memref<128xi32, #tpu.memory_space<vmem>>) semaphore(%arg15 : memref<!tpu.dma_semaphore, #tpu.memory_space<semaphore_mem>>) {add = true}
    %dma_wait3A_1132 = arith.constant 0 : i32
    %dma_wait3A_1133 = tpu.memref_slice %arg2[%add3A_15, %dma_wait3A_1132] : memref<32768x128xf32, #tpu.memory_space<hbm>> -> memref<128x128xf32, #tpu.memory_space<hbm>>
    %dma_wait3A_1134 = arith.constant 0 : i32
    %dma_wait3A_1135 = tpu.memref_slice %arg2[%add3A_15, %dma_wait3A_1134] : memref<32768x128xf32, #tpu.memory_space<hbm>> -> memref<128x128xf32, #tpu.memory_space<hbm>>
    tpu.wait_dma2 semaphore(%arg13 : memref<!tpu.dma_semaphore, #tpu.memory_space<semaphore_mem>>) src(%dma_wait3A_1135 : memref<128x128xf32, #tpu.memory_space<hbm>>) dst(%arg8 : memref<128x128xf32, #tpu.memory_space<vmem>>)
    %dma_start3A_1136 = arith.constant 2 : i32
    %dma_start3A_1137 = arith.constant 0 : i32
    %dma_start3A_1138 = tpu.memref_slice %arg5[%dma_start3A_1136, %dma_start3A_1137] : memref<3x128xi32, #tpu.memory_space<vmem>> -> memref<1x128xi32, #tpu.memory_space<vmem>>
    %dma_start3A_1139 = tpu.memref_squeeze %dma_start3A_1138 : memref<1x128xi32, #tpu.memory_space<vmem>> -> memref<128xi32, #tpu.memory_space<vmem>>
    %dma_start3A_1140 = arith.constant 0 : i32
    %dma_start3A_1141 = arith.constant 0 : i32
    %dma_start3A_1142 = tpu.memref_slice %arg10[%dma_start3A_1140, %dma_start3A_1141] : memref<256x128xf32, #tpu.memory_space<vmem_shared>> -> memref<256x128xf32, #tpu.memory_space<vmem_shared>>
    tpu.enqueue_indirect_dma source(%arg8 : memref<128x128xf32, #tpu.memory_space<vmem>>) target(%dma_start3A_1142 : memref<256x128xf32, #tpu.memory_space<vmem_shared>>) offsets(%dma_start3A_1139 : memref<128xi32, #tpu.memory_space<vmem>>) semaphore(%arg16 : memref<!tpu.dma_semaphore, #tpu.memory_space<semaphore_mem>>) {add = true}
    %dma_wait3A_1143 = arith.constant 0 : i32
    %dma_wait3A_1144 = arith.constant 0 : i32
    %dma_wait3A_1145 = tpu.memref_slice %arg5[%dma_wait3A_1143, %dma_wait3A_1144] : memref<3x128xi32, #tpu.memory_space<vmem>> -> memref<1x128xi32, #tpu.memory_space<vmem>>
    %dma_wait3A_1146 = tpu.memref_squeeze %dma_wait3A_1145 : memref<1x128xi32, #tpu.memory_space<vmem>> -> memref<128xi32, #tpu.memory_space<vmem>>
    %dma_wait3A_1147 = arith.constant 0 : i32
    %dma_wait3A_1148 = arith.constant 0 : i32
    %dma_wait3A_1149 = tpu.memref_slice %arg10[%dma_wait3A_1147, %dma_wait3A_1148] : memref<256x128xf32, #tpu.memory_space<vmem_shared>> -> memref<256x128xf32, #tpu.memory_space<vmem_shared>>
    tpu.wait_indirect_dma semaphore(%arg14 : memref<!tpu.dma_semaphore, #tpu.memory_space<semaphore_mem>>) src(%arg6 : memref<128x128xf32, #tpu.memory_space<vmem>>) dst(%dma_wait3A_1149 : memref<256x128xf32, #tpu.memory_space<vmem_shared>>)
    %dma_wait3A_1150 = arith.constant 1 : i32
    %dma_wait3A_1151 = arith.constant 0 : i32
    %dma_wait3A_1152 = tpu.memref_slice %arg5[%dma_wait3A_1150, %dma_wait3A_1151] : memref<3x128xi32, #tpu.memory_space<vmem>> -> memref<1x128xi32, #tpu.memory_space<vmem>>
    %dma_wait3A_1153 = tpu.memref_squeeze %dma_wait3A_1152 : memref<1x128xi32, #tpu.memory_space<vmem>> -> memref<128xi32, #tpu.memory_space<vmem>>
    %dma_wait3A_1154 = arith.constant 0 : i32
    %dma_wait3A_1155 = arith.constant 0 : i32
    %dma_wait3A_1156 = tpu.memref_slice %arg10[%dma_wait3A_1154, %dma_wait3A_1155] : memref<256x128xf32, #tpu.memory_space<vmem_shared>> -> memref<256x128xf32, #tpu.memory_space<vmem_shared>>
    tpu.wait_indirect_dma semaphore(%arg15 : memref<!tpu.dma_semaphore, #tpu.memory_space<semaphore_mem>>) src(%arg7 : memref<128x128xf32, #tpu.memory_space<vmem>>) dst(%dma_wait3A_1156 : memref<256x128xf32, #tpu.memory_space<vmem_shared>>)
    %dma_wait3A_1157 = arith.constant 2 : i32
    %dma_wait3A_1158 = arith.constant 0 : i32
    %dma_wait3A_1159 = tpu.memref_slice %arg5[%dma_wait3A_1157, %dma_wait3A_1158] : memref<3x128xi32, #tpu.memory_space<vmem>> -> memref<1x128xi32, #tpu.memory_space<vmem>>
    %dma_wait3A_1160 = tpu.memref_squeeze %dma_wait3A_1159 : memref<1x128xi32, #tpu.memory_space<vmem>> -> memref<128xi32, #tpu.memory_space<vmem>>
    %dma_wait3A_1161 = arith.constant 0 : i32
    %dma_wait3A_1162 = arith.constant 0 : i32
    %dma_wait3A_1163 = tpu.memref_slice %arg10[%dma_wait3A_1161, %dma_wait3A_1162] : memref<256x128xf32, #tpu.memory_space<vmem_shared>> -> memref<256x128xf32, #tpu.memory_space<vmem_shared>>
    tpu.wait_indirect_dma semaphore(%arg16 : memref<!tpu.dma_semaphore, #tpu.memory_space<semaphore_mem>>) src(%arg8 : memref<128x128xf32, #tpu.memory_space<vmem>>) dst(%dma_wait3A_1163 : memref<256x128xf32, #tpu.memory_space<vmem_shared>>)
    %mul3A_1164 = arith.constant 16 : i32
    %mul3A_1165 = arith.muli %arg1, %mul3A_1164 : i32
    "tpu.region"() ({
      %run_scoped3A_1166 = tpu.sem_alloc : memref<!tpu.dma_semaphore, #tpu.memory_space<semaphore_mem>>
      %dma_start3A_1167 = arith.constant 0 : i32
      %dma_start3A_1168 = arith.constant 0 : i32
      %dma_start3A_1169 = tpu.memref_slice %arg4[%add3A, %dma_start3A_1167, %dma_start3A_1168] : memref<32x16x128xf32, #tpu.memory_space<hbm>> -> memref<1x16x128xf32, #tpu.memory_space<hbm>>
      %dma_start3A_1170 = tpu.memref_squeeze %dma_start3A_1169 : memref<1x16x128xf32, #tpu.memory_space<hbm>> -> memref<16x128xf32, #tpu.memory_space<hbm>>
      %dma_start3A_1171 = arith.constant 0 : i32
      %dma_start3A_1172 = tpu.memref_slice %arg10[%mul3A_1165, %dma_start3A_1171] : memref<256x128xf32, #tpu.memory_space<vmem_shared>> -> memref<16x128xf32, #tpu.memory_space<vmem_shared>>
      tpu.enqueue_dma source(%dma_start3A_1172 : memref<16x128xf32, #tpu.memory_space<vmem_shared>>) target(%dma_start3A_1170 : memref<16x128xf32, #tpu.memory_space<hbm>>) target_semaphore(%run_scoped3A_1166 : memref<!tpu.dma_semaphore, #tpu.memory_space<semaphore_mem>>)
      %dma_wait3A_1173 = arith.constant 0 : i32
      %dma_wait3A_1174 = arith.constant 0 : i32
      %dma_wait3A_1175 = tpu.memref_slice %arg4[%add3A, %dma_wait3A_1173, %dma_wait3A_1174] : memref<32x16x128xf32, #tpu.memory_space<hbm>> -> memref<1x16x128xf32, #tpu.memory_space<hbm>>
      %dma_wait3A_1176 = tpu.memref_squeeze %dma_wait3A_1175 : memref<1x16x128xf32, #tpu.memory_space<hbm>> -> memref<16x128xf32, #tpu.memory_space<hbm>>
      %dma_wait3A_1177 = arith.constant 0 : i32
      %dma_wait3A_1178 = tpu.memref_slice %arg10[%mul3A_1165, %dma_wait3A_1177] : memref<256x128xf32, #tpu.memory_space<vmem_shared>> -> memref<16x128xf32, #tpu.memory_space<vmem_shared>>
      tpu.wait_dma2 semaphore(%run_scoped3A_1166 : memref<!tpu.dma_semaphore, #tpu.memory_space<semaphore_mem>>) src(%dma_wait3A_1178 : memref<16x128xf32, #tpu.memory_space<vmem_shared>>) dst(%dma_wait3A_1176 : memref<16x128xf32, #tpu.memory_space<hbm>>)
      tpu.yield
    }) : () -> ()
    return
  }
}

module attributes {stable_mosaic.version = 14 : i64} {
  func.func @_tcsum_body(%arg0: i32, %arg1: memref<1x16xi32, #tpu.memory_space<vmem>>, %arg2: memref<1x16xi32, #tpu.memory_space<vmem>>, %arg3: memref<4096x128xf32, #tpu.memory_space<vmem>>, %arg4: memref<16x128xf32, #tpu.memory_space<vmem>>) attributes {dimension_semantics = [#tpu.dimension_semantics<arbitrary>], iteration_bounds = array<i64: 5>, scalar_prefetch = 0 : i64, scratch_operands = 0 : i64, tpu.core_type = #tpu.core_type<tc>, window_params = [{pipeline_mode = #tpu.pipeline_mode<synchronous>, transform_indices = @transform_0, window_bounds = array<i64: 1, 16>}, {pipeline_mode = #tpu.pipeline_mode<synchronous>, transform_indices = @transform_1, window_bounds = array<i64: 1, 16>}, {transform_indices = @transform_2, window_bounds = array<i64: 4096, 128>}, {pipeline_mode = #tpu.pipeline_mode<synchronous>, transform_indices = @transform_3, window_bounds = array<i64: 16, 128>}]} {
    %eq3A = arith.constant 0 : i32
    %eq3A_0 = arith.cmpi eq, %arg0, %eq3A : i32
    %convert_element_type3A = arith.extui %eq3A_0 : i1 to i32
    %cond3A = arith.constant 0 : i32
    %cond3A_1 = arith.cmpi ne, %convert_element_type3A, %cond3A : i32
    scf.if %cond3A_1 {
      %broadcast_in_dim3A = arith.constant 0.000000e+00 : f32
      %broadcast_in_dim3A_30 = vector.broadcast %broadcast_in_dim3A : f32 to vector<16x128xf32>
      %swap3A_31 = arith.constant 0 : index
      %swap3A_32 = arith.constant 0 : index
      %swap3A_33 = vector.load %arg4[%swap3A_31, %swap3A_32] : memref<16x128xf32, #tpu.memory_space<vmem>>, vector<16x128xf32>
      tpu.vector_store %arg4[%swap3A_31, %swap3A_32], %broadcast_in_dim3A_30 {strides = array<i32>} : memref<16x128xf32, #tpu.memory_space<vmem>>, vector<16x128xf32>,
    } else {
    }
    %mul3A = arith.constant 4096 : i32
    %mul3A_2 = arith.muli %arg0, %mul3A : i32
    %add3A = arith.constant 12288 : i32
    %add3A_3 = arith.addi %add3A, %mul3A_2 : i32
    %iota3A = tpu.iota {dimensions = array<i32: 0>} : vector<4096x16xi32>
    %add3A_4 = vector.broadcast %add3A_3 : i32 to vector<4096x16xi32>
    %add3A_5 = arith.addi %add3A_4, %iota3A : vector<4096x16xi32>
    %get3A = arith.constant 0 : index
    %get3A_6 = arith.constant 0 : index
    %get3A_7 = vector.load %arg1[%get3A, %get3A_6] : memref<1x16xi32, #tpu.memory_space<vmem>>, vector<1x16xi32>
    %get3A_8 = arith.constant 0 : index
    %get3A_9 = arith.constant 0 : index
    %get3A_10 = vector.load %arg2[%get3A_8, %get3A_9] : memref<1x16xi32, #tpu.memory_space<vmem>>, vector<1x16xi32>
    %ge3A = vector.broadcast %get3A_7 : vector<1x16xi32> to vector<4096x16xi32>
    %ge3A_11 = arith.cmpi sge, %add3A_5, %ge3A : vector<4096x16xi32>
    %lt3A = vector.broadcast %get3A_10 : vector<1x16xi32> to vector<4096x16xi32>
    %lt3A_12 = arith.cmpi slt, %add3A_5, %lt3A : vector<4096x16xi32>
    %and3A = arith.andi %ge3A_11, %lt3A_12 : vector<4096x16xi1>
    %convert_element_type3A_13 = arith.extui %and3A : vector<4096x16xi1> to vector<4096x16xi32>
    %convert_element_type3A_14 = arith.sitofp %convert_element_type3A_13 : vector<4096x16xi32> to vector<4096x16xf32>
    %get3A_15 = arith.constant 0 : index
    %get3A_16 = arith.constant 0 : index
    %get3A_17 = vector.load %arg3[%get3A_15, %get3A_16] : memref<4096x128xf32, #tpu.memory_space<vmem>>, vector<4096x128xf32>
    %convert_element_type3A_18 = arith.truncf %get3A_17 : vector<4096x128xf32> to vector<4096x128xbf16>
    %convert_element_type3A_19 = arith.extf %convert_element_type3A_18 : vector<4096x128xbf16> to vector<4096x128xf32>
    %sub3A = arith.subf %get3A_17, %convert_element_type3A_19 : vector<4096x128xf32>
    %get3A_20 = arith.constant 0 : index
    %get3A_21 = arith.constant 0 : index
    %get3A_22 = vector.load %arg4[%get3A_20, %get3A_21] : memref<16x128xf32, #tpu.memory_space<vmem>>, vector<16x128xf32>
    %dot_general3A = arith.constant dense<0.000000e+00> : vector<16x128xf32>
    %dot_general3A_23 = tpu.matmul %convert_element_type3A_14, %convert_element_type3A_19, %dot_general3A {dimension_numbers = #tpu.dot_dimension_numbers<[0], [0], [1], [1], [0, 1, 1, 1], [], []>, transpose_lhs_hint = false} : vector<4096x16xf32>, vector<4096x128xf32>, vector<16x128xf32> -> vector<16x128xf32>
    %dot_general3A_24 = arith.constant dense<0.000000e+00> : vector<16x128xf32>
    %dot_general3A_25 = tpu.matmul %convert_element_type3A_14, %sub3A, %dot_general3A_24 {dimension_numbers = #tpu.dot_dimension_numbers<[0], [0], [1], [1], [0, 1, 1, 1], [], []>, transpose_lhs_hint = false} : vector<4096x16xf32>, vector<4096x128xf32>, vector<16x128xf32> -> vector<16x128xf32>
    %add3A_26 = arith.addf %dot_general3A_23, %dot_general3A_25 : vector<16x128xf32>
    %add3A_27 = arith.addf %get3A_22, %add3A_26 : vector<16x128xf32>
    %swap3A = arith.constant 0 : index
    %swap3A_28 = arith.constant 0 : index
    %swap3A_29 = vector.load %arg4[%swap3A, %swap3A_28] : memref<16x128xf32, #tpu.memory_space<vmem>>, vector<16x128xf32>
    tpu.vector_store %arg4[%swap3A, %swap3A_28], %add3A_27 {strides = array<i32>} : memref<16x128xf32, #tpu.memory_space<vmem>>, vector<16x128xf32>,
    return
  }
  func.func @transform_0(%arg0: i32) -> (i32, i32) {
    %c0_i32 = arith.constant 0 : i32
    %c0_i32_0 = arith.constant 0 : i32
    %c0_i32_1 = arith.constant 0 : i32
    return %c0_i32, %c0_i32_0 : i32, i32
  }
  func.func @transform_1(%arg0: i32) -> (i32, i32) {
    %c0_i32 = arith.constant 0 : i32
    %c0_i32_0 = arith.constant 0 : i32
    %c0_i32_1 = arith.constant 0 : i32
    return %c0_i32, %c0_i32_0 : i32, i32
  }
  func.func @transform_2(%arg0: i32) -> (i32, i32) {
    %add3A = arith.constant 3 : i32
    %add3A_0 = arith.addi %arg0, %add3A : i32
    %c0_i32 = arith.constant 0 : i32
    %c0_i32_1 = arith.constant 0 : i32
    return %add3A_0, %c0_i32 : i32, i32
  }
  func.func @transform_3(%arg0: i32) -> (i32, i32) {
    %c0_i32 = arith.constant 0 : i32
    %c0_i32_0 = arith.constant 0 : i32
    %c0_i32_1 = arith.constant 0 : i32
    return %c0_i32, %c0_i32_0 : i32, i32
  }
}

module attributes {stable_mosaic.version = 14 : i64} {
  func.func @_combine_body(%arg0: memref<32x16x128xf32, #tpu.memory_space<vmem>>, %arg1: memref<16x128xf32, #tpu.memory_space<vmem>>, %arg2: memref<1x16xf32, #tpu.memory_space<vmem>>, %arg3: memref<16x128xf32, #tpu.memory_space<vmem>>) attributes {dimension_semantics = [], scalar_prefetch = 0 : i64, scratch_operands = 0 : i64, tpu.core_type = #tpu.core_type<tc>} {
    %get3A = arith.constant 0 : index
    %get3A_0 = arith.constant 0 : index
    %get3A_1 = vector.load %arg1[%get3A, %get3A_0] : memref<16x128xf32, #tpu.memory_space<vmem>>, vector<16x128xf32>
    %get3A_2 = arith.constant 0 : index
    %get3A_3 = arith.constant 0 : index
    %get3A_4 = arith.constant 0 : index
    %get3A_5 = vector.load %arg0[%get3A_2, %get3A_3, %get3A_4] : memref<32x16x128xf32, #tpu.memory_space<vmem>>, vector<1x16x128xf32>
    %get3A_6 = vector.shape_cast %get3A_5 : vector<1x16x128xf32> to vector<16x128xf32>
    %add3A = arith.addf %get3A_1, %get3A_6 : vector<16x128xf32>
    %get3A_7 = arith.constant 1 : index
    %get3A_8 = arith.constant 0 : index
    %get3A_9 = arith.constant 0 : index
    %get3A_10 = vector.load %arg0[%get3A_7, %get3A_8, %get3A_9] : memref<32x16x128xf32, #tpu.memory_space<vmem>>, vector<1x16x128xf32>
    %get3A_11 = vector.shape_cast %get3A_10 : vector<1x16x128xf32> to vector<16x128xf32>
    %add3A_12 = arith.addf %add3A, %get3A_11 : vector<16x128xf32>
    %get3A_13 = arith.constant 2 : index
    %get3A_14 = arith.constant 0 : index
    %get3A_15 = arith.constant 0 : index
    %get3A_16 = vector.load %arg0[%get3A_13, %get3A_14, %get3A_15] : memref<32x16x128xf32, #tpu.memory_space<vmem>>, vector<1x16x128xf32>
    %get3A_17 = vector.shape_cast %get3A_16 : vector<1x16x128xf32> to vector<16x128xf32>
    %add3A_18 = arith.addf %add3A_12, %get3A_17 : vector<16x128xf32>
    %get3A_19 = arith.constant 3 : index
    %get3A_20 = arith.constant 0 : index
    %get3A_21 = arith.constant 0 : index
    %get3A_22 = vector.load %arg0[%get3A_19, %get3A_20, %get3A_21] : memref<32x16x128xf32, #tpu.memory_space<vmem>>, vector<1x16x128xf32>
    %get3A_23 = vector.shape_cast %get3A_22 : vector<1x16x128xf32> to vector<16x128xf32>
    %add3A_24 = arith.addf %add3A_18, %get3A_23 : vector<16x128xf32>
    %get3A_25 = arith.constant 4 : index
    %get3A_26 = arith.constant 0 : index
    %get3A_27 = arith.constant 0 : index
    %get3A_28 = vector.load %arg0[%get3A_25, %get3A_26, %get3A_27] : memref<32x16x128xf32, #tpu.memory_space<vmem>>, vector<1x16x128xf32>
    %get3A_29 = vector.shape_cast %get3A_28 : vector<1x16x128xf32> to vector<16x128xf32>
    %add3A_30 = arith.addf %add3A_24, %get3A_29 : vector<16x128xf32>
    %get3A_31 = arith.constant 5 : index
    %get3A_32 = arith.constant 0 : index
    %get3A_33 = arith.constant 0 : index
    %get3A_34 = vector.load %arg0[%get3A_31, %get3A_32, %get3A_33] : memref<32x16x128xf32, #tpu.memory_space<vmem>>, vector<1x16x128xf32>
    %get3A_35 = vector.shape_cast %get3A_34 : vector<1x16x128xf32> to vector<16x128xf32>
    %add3A_36 = arith.addf %add3A_30, %get3A_35 : vector<16x128xf32>
    %get3A_37 = arith.constant 6 : index
    %get3A_38 = arith.constant 0 : index
    %get3A_39 = arith.constant 0 : index
    %get3A_40 = vector.load %arg0[%get3A_37, %get3A_38, %get3A_39] : memref<32x16x128xf32, #tpu.memory_space<vmem>>, vector<1x16x128xf32>
    %get3A_41 = vector.shape_cast %get3A_40 : vector<1x16x128xf32> to vector<16x128xf32>
    %add3A_42 = arith.addf %add3A_36, %get3A_41 : vector<16x128xf32>
    %get3A_43 = arith.constant 7 : index
    %get3A_44 = arith.constant 0 : index
    %get3A_45 = arith.constant 0 : index
    %get3A_46 = vector.load %arg0[%get3A_43, %get3A_44, %get3A_45] : memref<32x16x128xf32, #tpu.memory_space<vmem>>, vector<1x16x128xf32>
    %get3A_47 = vector.shape_cast %get3A_46 : vector<1x16x128xf32> to vector<16x128xf32>
    %add3A_48 = arith.addf %add3A_42, %get3A_47 : vector<16x128xf32>
    %get3A_49 = arith.constant 8 : index
    %get3A_50 = arith.constant 0 : index
    %get3A_51 = arith.constant 0 : index
    %get3A_52 = vector.load %arg0[%get3A_49, %get3A_50, %get3A_51] : memref<32x16x128xf32, #tpu.memory_space<vmem>>, vector<1x16x128xf32>
    %get3A_53 = vector.shape_cast %get3A_52 : vector<1x16x128xf32> to vector<16x128xf32>
    %add3A_54 = arith.addf %add3A_48, %get3A_53 : vector<16x128xf32>
    %get3A_55 = arith.constant 9 : index
    %get3A_56 = arith.constant 0 : index
    %get3A_57 = arith.constant 0 : index
    %get3A_58 = vector.load %arg0[%get3A_55, %get3A_56, %get3A_57] : memref<32x16x128xf32, #tpu.memory_space<vmem>>, vector<1x16x128xf32>
    %get3A_59 = vector.shape_cast %get3A_58 : vector<1x16x128xf32> to vector<16x128xf32>
    %add3A_60 = arith.addf %add3A_54, %get3A_59 : vector<16x128xf32>
    %get3A_61 = arith.constant 10 : index
    %get3A_62 = arith.constant 0 : index
    %get3A_63 = arith.constant 0 : index
    %get3A_64 = vector.load %arg0[%get3A_61, %get3A_62, %get3A_63] : memref<32x16x128xf32, #tpu.memory_space<vmem>>, vector<1x16x128xf32>
    %get3A_65 = vector.shape_cast %get3A_64 : vector<1x16x128xf32> to vector<16x128xf32>
    %add3A_66 = arith.addf %add3A_60, %get3A_65 : vector<16x128xf32>
    %get3A_67 = arith.constant 11 : index
    %get3A_68 = arith.constant 0 : index
    %get3A_69 = arith.constant 0 : index
    %get3A_70 = vector.load %arg0[%get3A_67, %get3A_68, %get3A_69] : memref<32x16x128xf32, #tpu.memory_space<vmem>>, vector<1x16x128xf32>
    %get3A_71 = vector.shape_cast %get3A_70 : vector<1x16x128xf32> to vector<16x128xf32>
    %add3A_72 = arith.addf %add3A_66, %get3A_71 : vector<16x128xf32>
    %get3A_73 = arith.constant 12 : index
    %get3A_74 = arith.constant 0 : index
    %get3A_75 = arith.constant 0 : index
    %get3A_76 = vector.load %arg0[%get3A_73, %get3A_74, %get3A_75] : memref<32x16x128xf32, #tpu.memory_space<vmem>>, vector<1x16x128xf32>
    %get3A_77 = vector.shape_cast %get3A_76 : vector<1x16x128xf32> to vector<16x128xf32>
    %add3A_78 = arith.addf %add3A_72, %get3A_77 : vector<16x128xf32>
    %get3A_79 = arith.constant 13 : index
    %get3A_80 = arith.constant 0 : index
    %get3A_81 = arith.constant 0 : index
    %get3A_82 = vector.load %arg0[%get3A_79, %get3A_80, %get3A_81] : memref<32x16x128xf32, #tpu.memory_space<vmem>>, vector<1x16x128xf32>
    %get3A_83 = vector.shape_cast %get3A_82 : vector<1x16x128xf32> to vector<16x128xf32>
    %add3A_84 = arith.addf %add3A_78, %get3A_83 : vector<16x128xf32>
    %get3A_85 = arith.constant 14 : index
    %get3A_86 = arith.constant 0 : index
    %get3A_87 = arith.constant 0 : index
    %get3A_88 = vector.load %arg0[%get3A_85, %get3A_86, %get3A_87] : memref<32x16x128xf32, #tpu.memory_space<vmem>>, vector<1x16x128xf32>
    %get3A_89 = vector.shape_cast %get3A_88 : vector<1x16x128xf32> to vector<16x128xf32>
    %add3A_90 = arith.addf %add3A_84, %get3A_89 : vector<16x128xf32>
    %get3A_91 = arith.constant 15 : index
    %get3A_92 = arith.constant 0 : index
    %get3A_93 = arith.constant 0 : index
    %get3A_94 = vector.load %arg0[%get3A_91, %get3A_92, %get3A_93] : memref<32x16x128xf32, #tpu.memory_space<vmem>>, vector<1x16x128xf32>
    %get3A_95 = vector.shape_cast %get3A_94 : vector<1x16x128xf32> to vector<16x128xf32>
    %add3A_96 = arith.addf %add3A_90, %get3A_95 : vector<16x128xf32>
    %get3A_97 = arith.constant 16 : index
    %get3A_98 = arith.constant 0 : index
    %get3A_99 = arith.constant 0 : index
    %get3A_100 = vector.load %arg0[%get3A_97, %get3A_98, %get3A_99] : memref<32x16x128xf32, #tpu.memory_space<vmem>>, vector<1x16x128xf32>
    %get3A_101 = vector.shape_cast %get3A_100 : vector<1x16x128xf32> to vector<16x128xf32>
    %add3A_102 = arith.addf %add3A_96, %get3A_101 : vector<16x128xf32>
    %get3A_103 = arith.constant 17 : index
    %get3A_104 = arith.constant 0 : index
    %get3A_105 = arith.constant 0 : index
    %get3A_106 = vector.load %arg0[%get3A_103, %get3A_104, %get3A_105] : memref<32x16x128xf32, #tpu.memory_space<vmem>>, vector<1x16x128xf32>
    %get3A_107 = vector.shape_cast %get3A_106 : vector<1x16x128xf32> to vector<16x128xf32>
    %add3A_108 = arith.addf %add3A_102, %get3A_107 : vector<16x128xf32>
    %get3A_109 = arith.constant 18 : index
    %get3A_110 = arith.constant 0 : index
    %get3A_111 = arith.constant 0 : index
    %get3A_112 = vector.load %arg0[%get3A_109, %get3A_110, %get3A_111] : memref<32x16x128xf32, #tpu.memory_space<vmem>>, vector<1x16x128xf32>
    %get3A_113 = vector.shape_cast %get3A_112 : vector<1x16x128xf32> to vector<16x128xf32>
    %add3A_114 = arith.addf %add3A_108, %get3A_113 : vector<16x128xf32>
    %get3A_115 = arith.constant 19 : index
    %get3A_116 = arith.constant 0 : index
    %get3A_117 = arith.constant 0 : index
    %get3A_118 = vector.load %arg0[%get3A_115, %get3A_116, %get3A_117] : memref<32x16x128xf32, #tpu.memory_space<vmem>>, vector<1x16x128xf32>
    %get3A_119 = vector.shape_cast %get3A_118 : vector<1x16x128xf32> to vector<16x128xf32>
    %add3A_120 = arith.addf %add3A_114, %get3A_119 : vector<16x128xf32>
    %get3A_121 = arith.constant 20 : index
    %get3A_122 = arith.constant 0 : index
    %get3A_123 = arith.constant 0 : index
    %get3A_124 = vector.load %arg0[%get3A_121, %get3A_122, %get3A_123] : memref<32x16x128xf32, #tpu.memory_space<vmem>>, vector<1x16x128xf32>
    %get3A_125 = vector.shape_cast %get3A_124 : vector<1x16x128xf32> to vector<16x128xf32>
    %add3A_126 = arith.addf %add3A_120, %get3A_125 : vector<16x128xf32>
    %get3A_127 = arith.constant 21 : index
    %get3A_128 = arith.constant 0 : index
    %get3A_129 = arith.constant 0 : index
    %get3A_130 = vector.load %arg0[%get3A_127, %get3A_128, %get3A_129] : memref<32x16x128xf32, #tpu.memory_space<vmem>>, vector<1x16x128xf32>
    %get3A_131 = vector.shape_cast %get3A_130 : vector<1x16x128xf32> to vector<16x128xf32>
    %add3A_132 = arith.addf %add3A_126, %get3A_131 : vector<16x128xf32>
    %get3A_133 = arith.constant 22 : index
    %get3A_134 = arith.constant 0 : index
    %get3A_135 = arith.constant 0 : index
    %get3A_136 = vector.load %arg0[%get3A_133, %get3A_134, %get3A_135] : memref<32x16x128xf32, #tpu.memory_space<vmem>>, vector<1x16x128xf32>
    %get3A_137 = vector.shape_cast %get3A_136 : vector<1x16x128xf32> to vector<16x128xf32>
    %add3A_138 = arith.addf %add3A_132, %get3A_137 : vector<16x128xf32>
    %get3A_139 = arith.constant 23 : index
    %get3A_140 = arith.constant 0 : index
    %get3A_141 = arith.constant 0 : index
    %get3A_142 = vector.load %arg0[%get3A_139, %get3A_140, %get3A_141] : memref<32x16x128xf32, #tpu.memory_space<vmem>>, vector<1x16x128xf32>
    %get3A_143 = vector.shape_cast %get3A_142 : vector<1x16x128xf32> to vector<16x128xf32>
    %add3A_144 = arith.addf %add3A_138, %get3A_143 : vector<16x128xf32>
    %get3A_145 = arith.constant 24 : index
    %get3A_146 = arith.constant 0 : index
    %get3A_147 = arith.constant 0 : index
    %get3A_148 = vector.load %arg0[%get3A_145, %get3A_146, %get3A_147] : memref<32x16x128xf32, #tpu.memory_space<vmem>>, vector<1x16x128xf32>
    %get3A_149 = vector.shape_cast %get3A_148 : vector<1x16x128xf32> to vector<16x128xf32>
    %add3A_150 = arith.addf %add3A_144, %get3A_149 : vector<16x128xf32>
    %get3A_151 = arith.constant 25 : index
    %get3A_152 = arith.constant 0 : index
    %get3A_153 = arith.constant 0 : index
    %get3A_154 = vector.load %arg0[%get3A_151, %get3A_152, %get3A_153] : memref<32x16x128xf32, #tpu.memory_space<vmem>>, vector<1x16x128xf32>
    %get3A_155 = vector.shape_cast %get3A_154 : vector<1x16x128xf32> to vector<16x128xf32>
    %add3A_156 = arith.addf %add3A_150, %get3A_155 : vector<16x128xf32>
    %get3A_157 = arith.constant 26 : index
    %get3A_158 = arith.constant 0 : index
    %get3A_159 = arith.constant 0 : index
    %get3A_160 = vector.load %arg0[%get3A_157, %get3A_158, %get3A_159] : memref<32x16x128xf32, #tpu.memory_space<vmem>>, vector<1x16x128xf32>
    %get3A_161 = vector.shape_cast %get3A_160 : vector<1x16x128xf32> to vector<16x128xf32>
    %add3A_162 = arith.addf %add3A_156, %get3A_161 : vector<16x128xf32>
    %get3A_163 = arith.constant 27 : index
    %get3A_164 = arith.constant 0 : index
    %get3A_165 = arith.constant 0 : index
    %get3A_166 = vector.load %arg0[%get3A_163, %get3A_164, %get3A_165] : memref<32x16x128xf32, #tpu.memory_space<vmem>>, vector<1x16x128xf32>
    %get3A_167 = vector.shape_cast %get3A_166 : vector<1x16x128xf32> to vector<16x128xf32>
    %add3A_168 = arith.addf %add3A_162, %get3A_167 : vector<16x128xf32>
    %get3A_169 = arith.constant 28 : index
    %get3A_170 = arith.constant 0 : index
    %get3A_171 = arith.constant 0 : index
    %get3A_172 = vector.load %arg0[%get3A_169, %get3A_170, %get3A_171] : memref<32x16x128xf32, #tpu.memory_space<vmem>>, vector<1x16x128xf32>
    %get3A_173 = vector.shape_cast %get3A_172 : vector<1x16x128xf32> to vector<16x128xf32>
    %add3A_174 = arith.addf %add3A_168, %get3A_173 : vector<16x128xf32>
    %get3A_175 = arith.constant 29 : index
    %get3A_176 = arith.constant 0 : index
    %get3A_177 = arith.constant 0 : index
    %get3A_178 = vector.load %arg0[%get3A_175, %get3A_176, %get3A_177] : memref<32x16x128xf32, #tpu.memory_space<vmem>>, vector<1x16x128xf32>
    %get3A_179 = vector.shape_cast %get3A_178 : vector<1x16x128xf32> to vector<16x128xf32>
    %add3A_180 = arith.addf %add3A_174, %get3A_179 : vector<16x128xf32>
    %get3A_181 = arith.constant 30 : index
    %get3A_182 = arith.constant 0 : index
    %get3A_183 = arith.constant 0 : index
    %get3A_184 = vector.load %arg0[%get3A_181, %get3A_182, %get3A_183] : memref<32x16x128xf32, #tpu.memory_space<vmem>>, vector<1x16x128xf32>
    %get3A_185 = vector.shape_cast %get3A_184 : vector<1x16x128xf32> to vector<16x128xf32>
    %add3A_186 = arith.addf %add3A_180, %get3A_185 : vector<16x128xf32>
    %get3A_187 = arith.constant 31 : index
    %get3A_188 = arith.constant 0 : index
    %get3A_189 = arith.constant 0 : index
    %get3A_190 = vector.load %arg0[%get3A_187, %get3A_188, %get3A_189] : memref<32x16x128xf32, #tpu.memory_space<vmem>>, vector<1x16x128xf32>
    %get3A_191 = vector.shape_cast %get3A_190 : vector<1x16x128xf32> to vector<16x128xf32>
    %add3A_192 = arith.addf %add3A_186, %get3A_191 : vector<16x128xf32>
    %get3A_193 = arith.constant 0 : index
    %get3A_194 = arith.constant 0 : index
    %get3A_195 = vector.load %arg2[%get3A_193, %get3A_194] : memref<1x16xf32, #tpu.memory_space<vmem>>, vector<1x16xf32>
    %get3A_196 = vector.shape_cast %get3A_195 : vector<1x16xf32> to vector<16xf32>
    %broadcast_in_dim3A = vector.shape_cast %get3A_196 : vector<16xf32> to vector<16x1xf32>
    %max3A = arith.constant 1.000000e+00 : f32
    %max3A_197 = vector.broadcast %max3A : f32 to vector<16x1xf32>
    %max3A_198 = arith.maximumf %broadcast_in_dim3A, %max3A_197 : vector<16x1xf32>
    %div3A = vector.broadcast %max3A_198 : vector<16x1xf32> to vector<16x128xf32>
    %div3A_199 = arith.divf %add3A_192, %div3A : vector<16x128xf32>
    %swap3A = arith.constant 0 : index
    %swap3A_200 = arith.constant 0 : index
    %swap3A_201 = vector.load %arg3[%swap3A, %swap3A_200] : memref<16x128xf32, #tpu.memory_space<vmem>>, vector<16x128xf32>
    tpu.vector_store %arg3[%swap3A, %swap3A_200], %div3A_199 {strides = array<i32>} : memref<16x128xf32, #tpu.memory_space<vmem>>, vector<16x128xf32>,
    return
  }
}

module attributes {stable_mosaic.version = 14 : i64} {
  func.func @_counts_body(%arg0: memref<256x128xi32, #tpu.memory_space<vmem>>, %arg1: memref<1x16xf32, #tpu.memory_space<vmem>>, %arg2: memref<1x16xi32, #tpu.memory_space<vmem>>, %arg3: memref<1x16xi32, #tpu.memory_space<vmem>>) attributes {dimension_semantics = [], scalar_prefetch = 0 : i64, scratch_operands = 0 : i64, tpu.core_type = #tpu.core_type<tc>} {
    %get3A = arith.constant 0 : index
    %get3A_0 = arith.constant 0 : index
    %get3A_1 = vector.load %arg0[%get3A, %get3A_0] : memref<256x128xi32, #tpu.memory_space<vmem>>, vector<256x128xi32>
    %eq3A = arith.constant 0 : i32
    %eq3A_2 = vector.broadcast %eq3A : i32 to vector<256x128xi32>
    %eq3A_3 = arith.cmpi eq, %get3A_1, %eq3A_2 : vector<256x128xi32>
    %convert_element_type3A = arith.extui %eq3A_3 : vector<256x128xi1> to vector<256x128xi32>
    %reduce_sum3A = vector.shape_cast %convert_element_type3A : vector<256x128xi32> to vector<1x256x128xi32>
    %reduce_sum3A_4 = arith.constant dense<0> : vector<1xi32>
    %reduce_sum3A_5 = vector.multi_reduction <add>, %reduce_sum3A, %reduce_sum3A_4 [1, 2] : vector<1x256x128xi32> to vector<1xi32>
    %reduce_sum3A_6 = vector.shape_cast %reduce_sum3A_5 : vector<1xi32> to vector<1x1x1xi32>
    %reduce_sum3A_7 = vector.extract %reduce_sum3A_6[0, 0, 0] : i32 from vector<1x1x1xi32>
    %reshape3A = vector.broadcast %reduce_sum3A_7 : i32 to vector<1x1xi32>
    %eq3A_8 = arith.constant 1 : i32
    %eq3A_9 = vector.broadcast %eq3A_8 : i32 to vector<256x128xi32>
    %eq3A_10 = arith.cmpi eq, %get3A_1, %eq3A_9 : vector<256x128xi32>
    %convert_element_type3A_11 = arith.extui %eq3A_10 : vector<256x128xi1> to vector<256x128xi32>
    %reduce_sum3A_12 = vector.shape_cast %convert_element_type3A_11 : vector<256x128xi32> to vector<1x256x128xi32>
    %reduce_sum3A_13 = arith.constant dense<0> : vector<1xi32>
    %reduce_sum3A_14 = vector.multi_reduction <add>, %reduce_sum3A_12, %reduce_sum3A_13 [1, 2] : vector<1x256x128xi32> to vector<1xi32>
    %reduce_sum3A_15 = vector.shape_cast %reduce_sum3A_14 : vector<1xi32> to vector<1x1x1xi32>
    %reduce_sum3A_16 = vector.extract %reduce_sum3A_15[0, 0, 0] : i32 from vector<1x1x1xi32>
    %reshape3A_17 = vector.broadcast %reduce_sum3A_16 : i32 to vector<1x1xi32>
    %eq3A_18 = arith.constant 2 : i32
    %eq3A_19 = vector.broadcast %eq3A_18 : i32 to vector<256x128xi32>
    %eq3A_20 = arith.cmpi eq, %get3A_1, %eq3A_19 : vector<256x128xi32>
    %convert_element_type3A_21 = arith.extui %eq3A_20 : vector<256x128xi1> to vector<256x128xi32>
    %reduce_sum3A_22 = vector.shape_cast %convert_element_type3A_21 : vector<256x128xi32> to vector<1x256x128xi32>
    %reduce_sum3A_23 = arith.constant dense<0> : vector<1xi32>
    %reduce_sum3A_24 = vector.multi_reduction <add>, %reduce_sum3A_22, %reduce_sum3A_23 [1, 2] : vector<1x256x128xi32> to vector<1xi32>
    %reduce_sum3A_25 = vector.shape_cast %reduce_sum3A_24 : vector<1xi32> to vector<1x1x1xi32>
    %reduce_sum3A_26 = vector.extract %reduce_sum3A_25[0, 0, 0] : i32 from vector<1x1x1xi32>
    %reshape3A_27 = vector.broadcast %reduce_sum3A_26 : i32 to vector<1x1xi32>
    %eq3A_28 = arith.constant 3 : i32
    %eq3A_29 = vector.broadcast %eq3A_28 : i32 to vector<256x128xi32>
    %eq3A_30 = arith.cmpi eq, %get3A_1, %eq3A_29 : vector<256x128xi32>
    %convert_element_type3A_31 = arith.extui %eq3A_30 : vector<256x128xi1> to vector<256x128xi32>
    %reduce_sum3A_32 = vector.shape_cast %convert_element_type3A_31 : vector<256x128xi32> to vector<1x256x128xi32>
    %reduce_sum3A_33 = arith.constant dense<0> : vector<1xi32>
    %reduce_sum3A_34 = vector.multi_reduction <add>, %reduce_sum3A_32, %reduce_sum3A_33 [1, 2] : vector<1x256x128xi32> to vector<1xi32>
    %reduce_sum3A_35 = vector.shape_cast %reduce_sum3A_34 : vector<1xi32> to vector<1x1x1xi32>
    %reduce_sum3A_36 = vector.extract %reduce_sum3A_35[0, 0, 0] : i32 from vector<1x1x1xi32>
    %reshape3A_37 = vector.broadcast %reduce_sum3A_36 : i32 to vector<1x1xi32>
    %eq3A_38 = arith.constant 4 : i32
    %eq3A_39 = vector.broadcast %eq3A_38 : i32 to vector<256x128xi32>
    %eq3A_40 = arith.cmpi eq, %get3A_1, %eq3A_39 : vector<256x128xi32>
    %convert_element_type3A_41 = arith.extui %eq3A_40 : vector<256x128xi1> to vector<256x128xi32>
    %reduce_sum3A_42 = vector.shape_cast %convert_element_type3A_41 : vector<256x128xi32> to vector<1x256x128xi32>
    %reduce_sum3A_43 = arith.constant dense<0> : vector<1xi32>
    %reduce_sum3A_44 = vector.multi_reduction <add>, %reduce_sum3A_42, %reduce_sum3A_43 [1, 2] : vector<1x256x128xi32> to vector<1xi32>
    %reduce_sum3A_45 = vector.shape_cast %reduce_sum3A_44 : vector<1xi32> to vector<1x1x1xi32>
    %reduce_sum3A_46 = vector.extract %reduce_sum3A_45[0, 0, 0] : i32 from vector<1x1x1xi32>
    %reshape3A_47 = vector.broadcast %reduce_sum3A_46 : i32 to vector<1x1xi32>
    %eq3A_48 = arith.constant 5 : i32
    %eq3A_49 = vector.broadcast %eq3A_48 : i32 to vector<256x128xi32>
    %eq3A_50 = arith.cmpi eq, %get3A_1, %eq3A_49 : vector<256x128xi32>
    %convert_element_type3A_51 = arith.extui %eq3A_50 : vector<256x128xi1> to vector<256x128xi32>
    %reduce_sum3A_52 = vector.shape_cast %convert_element_type3A_51 : vector<256x128xi32> to vector<1x256x128xi32>
    %reduce_sum3A_53 = arith.constant dense<0> : vector<1xi32>
    %reduce_sum3A_54 = vector.multi_reduction <add>, %reduce_sum3A_52, %reduce_sum3A_53 [1, 2] : vector<1x256x128xi32> to vector<1xi32>
    %reduce_sum3A_55 = vector.shape_cast %reduce_sum3A_54 : vector<1xi32> to vector<1x1x1xi32>
    %reduce_sum3A_56 = vector.extract %reduce_sum3A_55[0, 0, 0] : i32 from vector<1x1x1xi32>
    %reshape3A_57 = vector.broadcast %reduce_sum3A_56 : i32 to vector<1x1xi32>
    %eq3A_58 = arith.constant 6 : i32
    %eq3A_59 = vector.broadcast %eq3A_58 : i32 to vector<256x128xi32>
    %eq3A_60 = arith.cmpi eq, %get3A_1, %eq3A_59 : vector<256x128xi32>
    %convert_element_type3A_61 = arith.extui %eq3A_60 : vector<256x128xi1> to vector<256x128xi32>
    %reduce_sum3A_62 = vector.shape_cast %convert_element_type3A_61 : vector<256x128xi32> to vector<1x256x128xi32>
    %reduce_sum3A_63 = arith.constant dense<0> : vector<1xi32>
    %reduce_sum3A_64 = vector.multi_reduction <add>, %reduce_sum3A_62, %reduce_sum3A_63 [1, 2] : vector<1x256x128xi32> to vector<1xi32>
    %reduce_sum3A_65 = vector.shape_cast %reduce_sum3A_64 : vector<1xi32> to vector<1x1x1xi32>
    %reduce_sum3A_66 = vector.extract %reduce_sum3A_65[0, 0, 0] : i32 from vector<1x1x1xi32>
    %reshape3A_67 = vector.broadcast %reduce_sum3A_66 : i32 to vector<1x1xi32>
    %eq3A_68 = arith.constant 7 : i32
    %eq3A_69 = vector.broadcast %eq3A_68 : i32 to vector<256x128xi32>
    %eq3A_70 = arith.cmpi eq, %get3A_1, %eq3A_69 : vector<256x128xi32>
    %convert_element_type3A_71 = arith.extui %eq3A_70 : vector<256x128xi1> to vector<256x128xi32>
    %reduce_sum3A_72 = vector.shape_cast %convert_element_type3A_71 : vector<256x128xi32> to vector<1x256x128xi32>
    %reduce_sum3A_73 = arith.constant dense<0> : vector<1xi32>
    %reduce_sum3A_74 = vector.multi_reduction <add>, %reduce_sum3A_72, %reduce_sum3A_73 [1, 2] : vector<1x256x128xi32> to vector<1xi32>
    %reduce_sum3A_75 = vector.shape_cast %reduce_sum3A_74 : vector<1xi32> to vector<1x1x1xi32>
    %reduce_sum3A_76 = vector.extract %reduce_sum3A_75[0, 0, 0] : i32 from vector<1x1x1xi32>
    %reshape3A_77 = vector.broadcast %reduce_sum3A_76 : i32 to vector<1x1xi32>
    %eq3A_78 = arith.constant 8 : i32
    %eq3A_79 = vector.broadcast %eq3A_78 : i32 to vector<256x128xi32>
    %eq3A_80 = arith.cmpi eq, %get3A_1, %eq3A_79 : vector<256x128xi32>
    %convert_element_type3A_81 = arith.extui %eq3A_80 : vector<256x128xi1> to vector<256x128xi32>
    %reduce_sum3A_82 = vector.shape_cast %convert_element_type3A_81 : vector<256x128xi32> to vector<1x256x128xi32>
    %reduce_sum3A_83 = arith.constant dense<0> : vector<1xi32>
    %reduce_sum3A_84 = vector.multi_reduction <add>, %reduce_sum3A_82, %reduce_sum3A_83 [1, 2] : vector<1x256x128xi32> to vector<1xi32>
    %reduce_sum3A_85 = vector.shape_cast %reduce_sum3A_84 : vector<1xi32> to vector<1x1x1xi32>
    %reduce_sum3A_86 = vector.extract %reduce_sum3A_85[0, 0, 0] : i32 from vector<1x1x1xi32>
    %reshape3A_87 = vector.broadcast %reduce_sum3A_86 : i32 to vector<1x1xi32>
    %eq3A_88 = arith.constant 9 : i32
    %eq3A_89 = vector.broadcast %eq3A_88 : i32 to vector<256x128xi32>
    %eq3A_90 = arith.cmpi eq, %get3A_1, %eq3A_89 : vector<256x128xi32>
    %convert_element_type3A_91 = arith.extui %eq3A_90 : vector<256x128xi1> to vector<256x128xi32>
    %reduce_sum3A_92 = vector.shape_cast %convert_element_type3A_91 : vector<256x128xi32> to vector<1x256x128xi32>
    %reduce_sum3A_93 = arith.constant dense<0> : vector<1xi32>
    %reduce_sum3A_94 = vector.multi_reduction <add>, %reduce_sum3A_92, %reduce_sum3A_93 [1, 2] : vector<1x256x128xi32> to vector<1xi32>
    %reduce_sum3A_95 = vector.shape_cast %reduce_sum3A_94 : vector<1xi32> to vector<1x1x1xi32>
    %reduce_sum3A_96 = vector.extract %reduce_sum3A_95[0, 0, 0] : i32 from vector<1x1x1xi32>
    %reshape3A_97 = vector.broadcast %reduce_sum3A_96 : i32 to vector<1x1xi32>
    %eq3A_98 = arith.constant 10 : i32
    %eq3A_99 = vector.broadcast %eq3A_98 : i32 to vector<256x128xi32>
    %eq3A_100 = arith.cmpi eq, %get3A_1, %eq3A_99 : vector<256x128xi32>
    %convert_element_type3A_101 = arith.extui %eq3A_100 : vector<256x128xi1> to vector<256x128xi32>
    %reduce_sum3A_102 = vector.shape_cast %convert_element_type3A_101 : vector<256x128xi32> to vector<1x256x128xi32>
    %reduce_sum3A_103 = arith.constant dense<0> : vector<1xi32>
    %reduce_sum3A_104 = vector.multi_reduction <add>, %reduce_sum3A_102, %reduce_sum3A_103 [1, 2] : vector<1x256x128xi32> to vector<1xi32>
    %reduce_sum3A_105 = vector.shape_cast %reduce_sum3A_104 : vector<1xi32> to vector<1x1x1xi32>
    %reduce_sum3A_106 = vector.extract %reduce_sum3A_105[0, 0, 0] : i32 from vector<1x1x1xi32>
    %reshape3A_107 = vector.broadcast %reduce_sum3A_106 : i32 to vector<1x1xi32>
    %eq3A_108 = arith.constant 11 : i32
    %eq3A_109 = vector.broadcast %eq3A_108 : i32 to vector<256x128xi32>
    %eq3A_110 = arith.cmpi eq, %get3A_1, %eq3A_109 : vector<256x128xi32>
    %convert_element_type3A_111 = arith.extui %eq3A_110 : vector<256x128xi1> to vector<256x128xi32>
    %reduce_sum3A_112 = vector.shape_cast %convert_element_type3A_111 : vector<256x128xi32> to vector<1x256x128xi32>
    %reduce_sum3A_113 = arith.constant dense<0> : vector<1xi32>
    %reduce_sum3A_114 = vector.multi_reduction <add>, %reduce_sum3A_112, %reduce_sum3A_113 [1, 2] : vector<1x256x128xi32> to vector<1xi32>
    %reduce_sum3A_115 = vector.shape_cast %reduce_sum3A_114 : vector<1xi32> to vector<1x1x1xi32>
    %reduce_sum3A_116 = vector.extract %reduce_sum3A_115[0, 0, 0] : i32 from vector<1x1x1xi32>
    %reshape3A_117 = vector.broadcast %reduce_sum3A_116 : i32 to vector<1x1xi32>
    %eq3A_118 = arith.constant 12 : i32
    %eq3A_119 = vector.broadcast %eq3A_118 : i32 to vector<256x128xi32>
    %eq3A_120 = arith.cmpi eq, %get3A_1, %eq3A_119 : vector<256x128xi32>
    %convert_element_type3A_121 = arith.extui %eq3A_120 : vector<256x128xi1> to vector<256x128xi32>
    %reduce_sum3A_122 = vector.shape_cast %convert_element_type3A_121 : vector<256x128xi32> to vector<1x256x128xi32>
    %reduce_sum3A_123 = arith.constant dense<0> : vector<1xi32>
    %reduce_sum3A_124 = vector.multi_reduction <add>, %reduce_sum3A_122, %reduce_sum3A_123 [1, 2] : vector<1x256x128xi32> to vector<1xi32>
    %reduce_sum3A_125 = vector.shape_cast %reduce_sum3A_124 : vector<1xi32> to vector<1x1x1xi32>
    %reduce_sum3A_126 = vector.extract %reduce_sum3A_125[0, 0, 0] : i32 from vector<1x1x1xi32>
    %reshape3A_127 = vector.broadcast %reduce_sum3A_126 : i32 to vector<1x1xi32>
    %eq3A_128 = arith.constant 13 : i32
    %eq3A_129 = vector.broadcast %eq3A_128 : i32 to vector<256x128xi32>
    %eq3A_130 = arith.cmpi eq, %get3A_1, %eq3A_129 : vector<256x128xi32>
    %convert_element_type3A_131 = arith.extui %eq3A_130 : vector<256x128xi1> to vector<256x128xi32>
    %reduce_sum3A_132 = vector.shape_cast %convert_element_type3A_131 : vector<256x128xi32> to vector<1x256x128xi32>
    %reduce_sum3A_133 = arith.constant dense<0> : vector<1xi32>
    %reduce_sum3A_134 = vector.multi_reduction <add>, %reduce_sum3A_132, %reduce_sum3A_133 [1, 2] : vector<1x256x128xi32> to vector<1xi32>
    %reduce_sum3A_135 = vector.shape_cast %reduce_sum3A_134 : vector<1xi32> to vector<1x1x1xi32>
    %reduce_sum3A_136 = vector.extract %reduce_sum3A_135[0, 0, 0] : i32 from vector<1x1x1xi32>
    %reshape3A_137 = vector.broadcast %reduce_sum3A_136 : i32 to vector<1x1xi32>
    %eq3A_138 = arith.constant 14 : i32
    %eq3A_139 = vector.broadcast %eq3A_138 : i32 to vector<256x128xi32>
    %eq3A_140 = arith.cmpi eq, %get3A_1, %eq3A_139 : vector<256x128xi32>
    %convert_element_type3A_141 = arith.extui %eq3A_140 : vector<256x128xi1> to vector<256x128xi32>
    %reduce_sum3A_142 = vector.shape_cast %convert_element_type3A_141 : vector<256x128xi32> to vector<1x256x128xi32>
    %reduce_sum3A_143 = arith.constant dense<0> : vector<1xi32>
    %reduce_sum3A_144 = vector.multi_reduction <add>, %reduce_sum3A_142, %reduce_sum3A_143 [1, 2] : vector<1x256x128xi32> to vector<1xi32>
    %reduce_sum3A_145 = vector.shape_cast %reduce_sum3A_144 : vector<1xi32> to vector<1x1x1xi32>
    %reduce_sum3A_146 = vector.extract %reduce_sum3A_145[0, 0, 0] : i32 from vector<1x1x1xi32>
    %reshape3A_147 = vector.broadcast %reduce_sum3A_146 : i32 to vector<1x1xi32>
    %eq3A_148 = arith.constant 15 : i32
    %eq3A_149 = vector.broadcast %eq3A_148 : i32 to vector<256x128xi32>
    %eq3A_150 = arith.cmpi eq, %get3A_1, %eq3A_149 : vector<256x128xi32>
    %convert_element_type3A_151 = arith.extui %eq3A_150 : vector<256x128xi1> to vector<256x128xi32>
    %reduce_sum3A_152 = vector.shape_cast %convert_element_type3A_151 : vector<256x128xi32> to vector<1x256x128xi32>
    %reduce_sum3A_153 = arith.constant dense<0> : vector<1xi32>
    %reduce_sum3A_154 = vector.multi_reduction <add>, %reduce_sum3A_152, %reduce_sum3A_153 [1, 2] : vector<1x256x128xi32> to vector<1xi32>
    %reduce_sum3A_155 = vector.shape_cast %reduce_sum3A_154 : vector<1xi32> to vector<1x1x1xi32>
    %reduce_sum3A_156 = vector.extract %reduce_sum3A_155[0, 0, 0] : i32 from vector<1x1x1xi32>
    %reshape3A_157 = vector.broadcast %reduce_sum3A_156 : i32 to vector<1x1xi32>
    %convert_element_type3A_158 = arith.sitofp %reshape3A : vector<1x1xi32> to vector<1x1xf32>
    %convert_element_type3A_159 = arith.sitofp %reshape3A_17 : vector<1x1xi32> to vector<1x1xf32>
    %convert_element_type3A_160 = arith.sitofp %reshape3A_27 : vector<1x1xi32> to vector<1x1xf32>
    %convert_element_type3A_161 = arith.sitofp %reshape3A_37 : vector<1x1xi32> to vector<1x1xf32>
    %convert_element_type3A_162 = arith.sitofp %reshape3A_47 : vector<1x1xi32> to vector<1x1xf32>
    %convert_element_type3A_163 = arith.sitofp %reshape3A_57 : vector<1x1xi32> to vector<1x1xf32>
    %convert_element_type3A_164 = arith.sitofp %reshape3A_67 : vector<1x1xi32> to vector<1x1xf32>
    %convert_element_type3A_165 = arith.sitofp %reshape3A_77 : vector<1x1xi32> to vector<1x1xf32>
    %convert_element_type3A_166 = arith.sitofp %reshape3A_87 : vector<1x1xi32> to vector<1x1xf32>
    %convert_element_type3A_167 = arith.sitofp %reshape3A_97 : vector<1x1xi32> to vector<1x1xf32>
    %convert_element_type3A_168 = arith.sitofp %reshape3A_107 : vector<1x1xi32> to vector<1x1xf32>
    %convert_element_type3A_169 = arith.sitofp %reshape3A_117 : vector<1x1xi32> to vector<1x1xf32>
    %convert_element_type3A_170 = arith.sitofp %reshape3A_127 : vector<1x1xi32> to vector<1x1xf32>
    %convert_element_type3A_171 = arith.sitofp %reshape3A_137 : vector<1x1xi32> to vector<1x1xf32>
    %convert_element_type3A_172 = arith.sitofp %reshape3A_147 : vector<1x1xi32> to vector<1x1xf32>
    %convert_element_type3A_173 = arith.sitofp %reshape3A_157 : vector<1x1xi32> to vector<1x1xf32>
    %concatenate3A = tpu.concatenate %convert_element_type3A_158, %convert_element_type3A_159, %convert_element_type3A_160, %convert_element_type3A_161, %convert_element_type3A_162, %convert_element_type3A_163, %convert_element_type3A_164, %convert_element_type3A_165, %convert_element_type3A_166, %convert_element_type3A_167, %convert_element_type3A_168, %convert_element_type3A_169, %convert_element_type3A_170, %convert_element_type3A_171, %convert_element_type3A_172, %convert_element_type3A_173 in 1 : vector<1x1xf32>, vector<1x1xf32>, vector<1x1xf32>, vector<1x1xf32>, vector<1x1xf32>, vector<1x1xf32>, vector<1x1xf32>, vector<1x1xf32>, vector<1x1xf32>, vector<1x1xf32>, vector<1x1xf32>, vector<1x1xf32>, vector<1x1xf32>, vector<1x1xf32>, vector<1x1xf32>, vector<1x1xf32> -> vector<1x16xf32>
    %swap3A = arith.constant 0 : index
    %swap3A_174 = arith.constant 0 : index
    %swap3A_175 = vector.load %arg1[%swap3A, %swap3A_174] : memref<1x16xf32, #tpu.memory_space<vmem>>, vector<1x16xf32>
    tpu.vector_store %arg1[%swap3A, %swap3A_174], %concatenate3A {strides = array<i32>} : memref<1x16xf32, #tpu.memory_space<vmem>>, vector<1x16xf32>,
    %broadcast_in_dim3A = arith.constant 0 : i32
    %broadcast_in_dim3A_176 = vector.broadcast %broadcast_in_dim3A : i32 to vector<1x1xi32>
    %add3A = arith.addi %broadcast_in_dim3A_176, %reshape3A : vector<1x1xi32>
    %add3A_177 = arith.addi %add3A, %reshape3A_17 : vector<1x1xi32>
    %add3A_178 = arith.addi %add3A_177, %reshape3A_27 : vector<1x1xi32>
    %add3A_179 = arith.addi %add3A_178, %reshape3A_37 : vector<1x1xi32>
    %add3A_180 = arith.addi %add3A_179, %reshape3A_47 : vector<1x1xi32>
    %add3A_181 = arith.addi %add3A_180, %reshape3A_57 : vector<1x1xi32>
    %add3A_182 = arith.addi %add3A_181, %reshape3A_67 : vector<1x1xi32>
    %add3A_183 = arith.addi %add3A_182, %reshape3A_77 : vector<1x1xi32>
    %add3A_184 = arith.addi %add3A_183, %reshape3A_87 : vector<1x1xi32>
    %add3A_185 = arith.addi %add3A_184, %reshape3A_97 : vector<1x1xi32>
    %add3A_186 = arith.addi %add3A_185, %reshape3A_107 : vector<1x1xi32>
    %add3A_187 = arith.addi %add3A_186, %reshape3A_117 : vector<1x1xi32>
    %add3A_188 = arith.addi %add3A_187, %reshape3A_127 : vector<1x1xi32>
    %add3A_189 = arith.addi %add3A_188, %reshape3A_137 : vector<1x1xi32>
    %add3A_190 = arith.addi %add3A_189, %reshape3A_147 : vector<1x1xi32>
    %add3A_191 = arith.addi %add3A_190, %reshape3A_157 : vector<1x1xi32>
    %concatenate3A_192 = tpu.concatenate %broadcast_in_dim3A_176, %add3A, %add3A_177, %add3A_178, %add3A_179, %add3A_180, %add3A_181, %add3A_182, %add3A_183, %add3A_184, %add3A_185, %add3A_186, %add3A_187, %add3A_188, %add3A_189, %add3A_190 in 1 : vector<1x1xi32>, vector<1x1xi32>, vector<1x1xi32>, vector<1x1xi32>, vector<1x1xi32>, vector<1x1xi32>, vector<1x1xi32>, vector<1x1xi32>, vector<1x1xi32>, vector<1x1xi32>, vector<1x1xi32>, vector<1x1xi32>, vector<1x1xi32>, vector<1x1xi32>, vector<1x1xi32>, vector<1x1xi32> -> vector<1x16xi32>
    %swap3A_193 = arith.constant 0 : index
    %swap3A_194 = arith.constant 0 : index
    %swap3A_195 = vector.load %arg2[%swap3A_193, %swap3A_194] : memref<1x16xi32, #tpu.memory_space<vmem>>, vector<1x16xi32>
    tpu.vector_store %arg2[%swap3A_193, %swap3A_194], %concatenate3A_192 {strides = array<i32>} : memref<1x16xi32, #tpu.memory_space<vmem>>, vector<1x16xi32>,
    %concatenate3A_196 = tpu.concatenate %add3A, %add3A_177, %add3A_178, %add3A_179, %add3A_180, %add3A_181, %add3A_182, %add3A_183, %add3A_184, %add3A_185, %add3A_186, %add3A_187, %add3A_188, %add3A_189, %add3A_190, %add3A_191 in 1 : vector<1x1xi32>, vector<1x1xi32>, vector<1x1xi32>, vector<1x1xi32>, vector<1x1xi32>, vector<1x1xi32>, vector<1x1xi32>, vector<1x1xi32>, vector<1x1xi32>, vector<1x1xi32>, vector<1x1xi32>, vector<1x1xi32>, vector<1x1xi32>, vector<1x1xi32>, vector<1x1xi32>, vector<1x1xi32> -> vector<1x16xi32>
    %swap3A_197 = arith.constant 0 : index
    %swap3A_198 = arith.constant 0 : index
    %swap3A_199 = vector.load %arg3[%swap3A_197, %swap3A_198] : memref<1x16xi32, #tpu.memory_space<vmem>>, vector<1x16xi32>
    tpu.vector_store %arg3[%swap3A_197, %swap3A_198], %concatenate3A_196 {strides = array<i32>} : memref<1x16xi32, #tpu.memory_space<vmem>>, vector<1x16xi32>,
    return
  }
}

</mosaic_0001>

<sc_bundles>
// kernel: kernel.6.cloned.1.call-start
scs
__scs_entry_jumppad:
0x0: {  	(pc) =	sbr.rel $0x88, $3  }
0x1: {  	(tag) =	ssettag $0x0;
	lr =	simm.s32 $0x1  }
0x2: {  	[smem:$0x3F9E] =	sst lr;
	_ =	strace $0xD0000000  }
0x3: {  	_ = 	snop  }
0x4: {  	_ = 	snop  }
0x5: {  	_ = 	snop  }
0x6: {  	_ = 	snop  }
0x7: {  	_ = 	snop  }
__scs_overlays_trampoline_lowered:
0x8: {  	[smem:$0x3FAD] =	sst s0  }
0x9: {  	[smem:$0x3FAE] =	sst s1  }
0xa: {  	[smem:$0x3FAF] =	sst s2  }
0xb: {  	[smem:$0x3FB0] =	sst s3  }
0xc: {  	[smem:$0x3FB1] =	sst s4  }
0xd: {  	[smem:$0x3FB2] =	sst s5  }
0xe: {  	[smem:$0x3FB3] =	sst s6  }
0xf: {  	[smem:$0x3FB4] =	sst s7  }
0x10: {  	[smem:$0x3FB5] =	sst s8  }
0x11: {  	[smem:$0x3FB6] =	sst s9;
	s0 =	simm.s32 @!p0 $0x0  }
0x12: {  	s1 =	sld [smem:$0x3F9C];
	s0 =	simm.s32 @p0 $0x1  }
0x13: {  	[smem:$0x3FB7] =	sst s0;
	s0 =	simm.s32 @!p1 $0x0  }
0x14: {  	s2 =	sld [smem:$0x3F9B];
	s0 =	simm.s32 @p1 $0x1  }
0x15: {  	[smem:$0x3FB8] =	sst s0;
	s0 =	simm.s32 @!p2 $0x0  }
0x16: {  	s3 =	sld [smem:$0x3FDB];
	s0 =	simm.s32 @p2 $0x1  }
0x17: {  	s4 =	simm.s32 $0x1BF5;
	[smem:$0x3FBA] =	sst s0  }
0x18: {  	s0 =	sld [smem:$0x3F9D];
	_ =	swait.ge [sflag:s4], $0x0  }
0x19: {  	s7 =	sld [smem:$0x3F9E]  }
0x1a: {  	s8 =	sadd.s32 $0xFFFFE003, lr  }
0x1b: {  	s9 =	sadd.s32 $0xFFFFFEF7, lr;
	s5 =	simm.s32 $0xFFFFFFFF;
	p2 =	slt.u32 s8, $0xFFFFF086  }
0x1c: {  	p1 =	slt.u32 s9, $0xF7A;
	s5 =	simm.s32 @!p2 $0x0  }
0x1d: {  	s5 =	simm.s32 @p1 $0x1;
	p0 =	seq.s32 s7, s2  }
0x1e: {  	s7 =	smul.u32 @!p0 $0xF7A, s2;
	p2 =	seq.s32 @!p0 s5, $0x0  }
0x1f: {  	s9 =	smul.u32 $0xF7A, s1;
	s8 =	simm.s32 @!p0 $0x1BF5;
	p2 =	por !p2, p0  }
0x20: {  	[sflag:s8] =	ssyncset.s32 @!p0 $0xFFFFF086;
	s6 =	sadd.s32 @!p0 s3, s7;
	s7 =	simm.s32 @!p0 $0x108  }
0x21: {  	s3 =	sadd.s32 s3, s9;
	s6 =	sadd.s32 @!p0 $0x88, s6;
	s7 =	simm.s32 @p2 $0x1082  }
0x22: {  	[simem:s7], [sflag:s8] =	dma.local @!p0 [hbm:s6], $0xF7A  }
0x23: {  	s9 =	sor.u32 $0xD0000000, s2;
	s6 =	simm.s32 $0x108;
	_ =	swait.ge @!p0 [sflag:s8], $0x0  }
0x24: {  	s3 =	sadd.s32 $0x88, s3;
	s6 =	simm.s32 @!p1 $0x1082;
	[sflag:s4] =	ssyncset.s32 $0xFFFFF086  }
0x25: {  	[simem:s6], [sflag:s4] =	dma.local [hbm:s3], $0xF7A  }
0x26: {  	[smem:$0x3F9E] =	sst s1;
	(tag) =	ssettag s2;
	_ =	strace s9  }
0x27: {  	s1 =	sld [smem:$0x3FAE]  }
0x28: {  	s2 =	sld [smem:$0x3FAF]  }
0x29: {  	s4 =	sld [smem:$0x3FB1]  }
0x2a: {  	p0 =	seq.s32 s5, $0x0;
	s5 =	sld [smem:$0x3FB2]  }
0x2b: {  	s6 =	sld [smem:$0x3FB3]  }
0x2c: {  	s7 =	sld [smem:$0x3FB4]  }
0x2d: {  	s3 =	simm.s32 $0x108;
	s8 =	sld [smem:$0x3FB5]  }
0x2e: {  	s3 =	simm.s32 @!p0 $0x1082;
	s9 =	sld [smem:$0x3FB6]  }
0x2f: {  	lr =	sadd.s32 s0, s3;
	s0 =	sld [smem:$0x3FAD]  }
0x30: {  	s3 =	sld [smem:$0x3FB0]  }
0x31: {  	[smem:$0x3FB9] =	sst s10  }
0x32: {  	s10 =	sld [smem:$0x3FB7];
	_ =	sdelay $0x3  }
0x33: {  	p0 =	seq.s32 s10, $0x1;
	s10 =	sld [smem:$0x3FB9];
	_ =	sdelay $0x3  }
0x34: {  	[smem:$0x3FB9] =	sst s10  }
0x35: {  	s10 =	sld [smem:$0x3FB8];
	_ =	sdelay $0x3  }
0x36: {  	p1 =	seq.s32 s10, $0x1;
	s10 =	sld [smem:$0x3FB9];
	_ =	sdelay $0x3  }
0x37: {  	[smem:$0x3FB9] =	sst s10  }
0x38: {  	s10 =	sld [smem:$0x3FBA]  }
0x39: {  	_ = 	snop;
	(pc) =	sbr.ind lr, $3  }
0x3a: {  	_ = 	snop  }
0x3b: {  	_ = 	snop  }
0x3c: {  	p2 =	seq.s32 s10, $0x1;
	s10 =	sld [smem:$0x3FB9]  }
0x3d: {  	_ =	shalt  }
0x3e: {  	_ =	shalt  }
0x3f: {  	_ =	shalt  }
0x40: {  	_ =	shalt  }
0x41: {  	_ =	shalt  }
0x42: {  	_ =	shalt  }
0x43: {  	_ =	shalt  }
0x44: {  	_ =	shalt  }
0x45: {  	_ =	shalt  }
0x46: {  	_ =	shalt  }
0x47: {  	_ =	shalt  }
0x48: {  	_ =	shalt  }
0x49: {  	_ =	shalt  }
0x4a: {  	_ =	shalt  }
0x4b: {  	_ =	shalt  }
0x4c: {  	_ =	shalt  }
0x4d: {  	_ =	shalt  }
0x4e: {  	_ =	shalt  }
0x4f: {  	_ =	shalt  }
0x50: {  	_ =	shalt  }
0x51: {  	_ =	shalt  }
0x52: {  	_ =	shalt  }
0x53: {  	_ =	shalt  }
0x54: {  	_ =	shalt  }
0x55: {  	_ =	shalt  }
0x56: {  	_ =	shalt  }
0x57: {  	_ =	shalt  }
0x58: {  	_ =	shalt  }
0x59: {  	_ =	shalt  }
0x5a: {  	_ =	shalt  }
0x5b: {  	_ =	shalt  }
0x5c: {  	_ =	shalt  }
0x5d: {  	_ =	shalt  }
0x5e: {  	_ =	shalt  }
0x5f: {  	_ =	shalt  }
0x60: {  	_ =	shalt  }
0x61: {  	_ =	shalt  }
0x62: {  	_ =	shalt  }
0x63: {  	_ =	shalt  }
0x64: {  	_ =	shalt  }
0x65: {  	_ =	shalt  }
0x66: {  	_ =	shalt  }
0x67: {  	_ =	shalt  }
0x68: {  	_ =	shalt  }
0x69: {  	_ =	shalt  }
0x6a: {  	_ =	shalt  }
0x6b: {  	_ =	shalt  }
0x6c: {  	_ =	shalt  }
0x6d: {  	_ =	shalt  }
0x6e: {  	_ =	shalt  }
0x6f: {  	_ =	shalt  }
0x70: {  	_ =	shalt  }
0x71: {  	_ =	shalt  }
0x72: {  	_ =	shalt  }
0x73: {  	_ =	shalt  }
0x74: {  	_ =	shalt  }
0x75: {  	_ =	shalt  }
0x76: {  	_ =	shalt  }
0x77: {  	_ =	shalt  }
0x78: {  	_ =	shalt  }
0x79: {  	_ =	shalt  }
0x7a: {  	_ =	shalt  }
0x7b: {  	_ =	shalt  }
0x7c: {  	_ =	shalt  }
0x7d: {  	_ =	shalt  }
0x7e: {  	_ =	shalt  }
0x7f: {  	_ =	shalt  }
0x80: {  	_ =	shalt  }
0x81: {  	_ =	shalt  }
0x82: {  	_ =	shalt  }
0x83: {  	_ =	shalt  }
0x84: {  	_ =	shalt  }
0x85: {  	_ =	shalt  }
0x86: {  	_ =	shalt  }
0x87: {  	_ =	shalt  }
.Lfunc_end0:
.L_simem_size_0:
called_computation_lowered:
.L_overlay_start_0:
0x88: {  	s2 =	sld [smem:$0x3FD9]  }
0x89: {  	s3 =	sld [smem:$0x3FFE];
	_ =	sdelay $0x1  }
0x8a: {  	s1 =	srdreg.scid  }
0x8b: {  	s0 =	sand.u32 $0x1, s1  }
0x8c: {  	s15 =	sshll.u32 s0, $0xA;
	s2 =	sadd.s32 s3, s2  }
0x8d: {  	s2 =	sadd.s32 s2, s15  }
0x8e: {  	[smem:$0x3FC5] =	sst s2  }
0x8f: {  	_ = 	snop  }
0x90: {  	s2 =	sld [smem:$0x3FD0];
	_ =	sdelay $0x1  }
0x91: {  	s16 =	sld [smem:$0x3FC8]  }
0x92: {  	s5 =	simm.s32 $0xA;
	s6 =	simm.s32 $0x10;
	s4 =	sld [smem:$0x3FC7]  }
0x93: {  	[smem:s6], [sflag:s5] =	dma.local [hbm:s2], $0x1  }
0x94: {  	_ =	swait.eq [sflag:s5], $0x1  }
0x95: {  	[sflag:s5] =	ssyncset.done $0x0  }
0x96: {  	[sflag:s5] =	ssyncadd.s32 $0xFFFFFFFF  }
0x97: {  	s17 =	sld [smem:$0x10];
	(tm) =	ssettm $0x1  }
0x98: {  	s18 =	sld [smem:$0x3FFB];
	_ =	sdelay $0x3  }
0x99: {  	_ =	strace s18  }
0x9a: {  	s5 =	sld [smem:$0x3FFC];
	_ =	sdelay $0x3  }
0x9b: {  	_ =	strace s5  }
0x9c: {  	s5 =	sld [smem:$0x3FFD];
	_ =	sdelay $0x3  }
0x9d: {  	_ =	strace s5  }
0x9e: {  	_ =	strace $0x8FFFFFFF  }
0x9f: {  	s19 =	sld [smem:$0x3FDB];
	_ =	sdelay $0x1  }
0xa0: {  	s20 =	simm.s32 $_scs_section_size  }
0xa1: {  	s7 =	simm.s32 $_size__tile_overlayer_lowered;
	s8 =	simm.s32 $_tile_overlayer_lowered  }
0xa2: {  	s23 =	simm.s32 $0x1BFF;
	s22 =	sshll.u32 s8, $0x1;
	s5 =	sadd.s32 s20, s19  }
0xa3: {  	s9 =	simm.s32 $0x0;
	s21 =	sshll.u32 s7, $0x1;
	s7 =	sadd.s32 s22, s5  }
0xa4: {  	[timem:s9], [sflag:s23] =	dma.local [hbm:s7], s21  }
0xa5: {  	_ =	swait.ge [sflag:s23], s21  }
0xa6: {  	s6 =	ssub.s32 $0x0, s21;
	[sflag:s23] =	ssyncset.done $0x0  }
0xa7: {  	[sflag:s23] =	ssyncadd.s32 s6;
	_ =	sdelay $0x1  }
0xa8: {  	s24 =	simm.s32 $0x1B8B  }
0xa9: {  	_ =	swait.ge [sflag:s24], $0x1  }
0xaa: {  	[sflag:s24] =	ssyncset.done $0x0  }
0xab: {  	s25 =	simm.s32 $0x1B8E;
	[sflag:s24] =	ssyncadd.s32 $0xFFFFFFFF  }
0xac: {  	s26 =	simm.s32 $execute0_lowered;
	[smem:$0x3FD2] =	sst s25  }
0xad: {  	s6 =	sshll.u32 s26, $0x1;
	_ =	strace $0x80000046;
	[dreg:$0x1] =	wrdreg $0xFFFFFFFF  }
0xae: {  	s28 =	simm.s32 $_size_execute0_lowered;
	s5 =	sadd.s32 s5, s6;
	[dreg:$0x0] =	wrdreg $0x0  }
0xaf: {  	s6 =	sshll.u32 s28, $0x1;
	[dreg:$0x2] =	wrdreg s5  }
0xb0: {  	[dreg:$0x3] =	wrdreg s6  }
0xb1: {  	[dreg:$0x4] =	wrdreg $0xC0  }
0xb2: {  	_ =	task [dreg:s9], $0x5FFFF  }
0xb3: {  	[dreg:$0x1] =	wrdreg $0xFFFFFFFF  }
0xb4: {  	[dreg:$0x0] =	wrdreg $0x60  }
0xb5: {  	[dreg:$0x2] =	wrdreg s16  }
0xb6: {  	[dreg:$0x3] =	wrdreg s4  }
0xb7: {  	[dreg:$0x4] =	wrdreg s17  }
0xb8: {  	[dreg:$0x5] =	wrdreg $0xCA000  }
0xb9: {  	[dreg:$0x6] =	wrdreg $0x9  }
0xba: {  	_ =	task.clear_ibuf [dreg:s9], $0x7FFFF;
	_ =	strace $0x90000046  }
0xbb: {  	s29 =	simm.s32 $0x9;
	_ =	strace $0x80000048  }
0xbc: {  	_ =	swait.ge [sflag:s29], $0x1  }
0xbd: {  	[sflag:s29] =	ssyncadd.s32 $0xFFFFFFFF  }
0xbe: {  	_ =	strace $0x90000048  }
0xbf: {  	_ =	sfence  }
0xc0: {  	s30 =	sld [smem:$0x0];
	_ =	sdelay $0x2  }
0xc1: {  	s31 =	sshll.u32 s1, $0xD;
	s1 =	sshrl.u32 s1, $0x2  }
0xc2: {  	s3 =	sand.u32 $0x4000, s31;
	s1 =	sadd.s32 s1, s30  }
0xc3: {  	s0 =	sor.u32 s3, s0;
	s1 =	sshll.u32 s1, $0x11  }
0xc4: {  	s0 =	sor.u32 s1, s0  }
0xc5: {  	s0 =	sadd.s32 $0x8F2B, s0  }
0xc6: {  	[sflag:s0] =	ssyncadd.remote.s32 $0x1  }
0xc7: {  	_ =	sfence.sel $0xFFFF  }
0xc8: {  	[dreg:$0x0] =	wrdreg $0xFFFFFFFF;
	(pc) =	sbr.abs _section_cstart, $3  }
0xc9: {  	[dreg:$0x1] =	wrdreg $0xFFFFFFFF  }
0xca: {  	_ =	task.clear_ibuf [dreg:s9], $0x2FFFF;
	_ =	strace $0x9FFFFFFF  }
0xcb: {  	(tm) =	ssettm $0x7FFFFFFF  }
tec
execute0_lowered:
.L_overlay_start_1:
0x0: {  	(tag) =	ssettag $0x1  }
0x1: {  	s6 =	rddreg [dreg:$0x0]  }
0x2: {  	s9 =	rddreg [dreg:$0x1]  }
0x3: {  	s11 =	rddreg [dreg:$0x2]  }
0x4: {  	s0 =	srdreg.scid;
	s2 =	rddreg [dreg:$0x3]  }
0x5: {  	s1 =	stileid.u32;
	s3 =	simm.s32 $0x0;
	s15 =	simm.s32 $0x8200  }
0x6: {  	s16 =	simm.s32 $0x7;
	s17 =	simm.s32 $0x80;
	s18 =	simm.s32 $0x100  }
0x7: {  	s19 =	simm.s32 $0xC200;
	s20 =	simm.s32 $0x1;
	s21 =	simm.s32 $0x2  }
0x8: {  	s22 =	simm.s32 $0x3;
	s4 =	sand.u32 $0x1, s0;
	s0 =	rddreg [dreg:$0x4]  }
0x9: {  	s24 =	simm.s32 $0x5;
	[smem:$0x7FF] =	sst s3;
	s5 =	sshll.u32 s4, $0x4  }
0xa: {  	s31 =	sshll.u32 s1, $0xB;
	s23 =	sshll.u32 s1, $0x4;
	s12 =	sor.u32 s1, s5  }
0xb: {  	s4 =	ssub.s32 $0x2, s4;
	_ =	strace $0x80000047;
	s7 =	smul.u32 $0x180, s12  }
0xc: {  	v0 =	vmov s23;
	s23 =	simm.s32 $0x4;
	s25 =	sshrl.u32 s4, $0x1;
	s8 =	smul.u32 $0x1800, s12  }
0xd: {  	s13 =	ssub.s32 s4, s25;
	s12 =	sshll.u32 s12, $0x8;
	s25 =	simm.s32 $0x6  }
0xe: {  	s11 =	sadd.s32 s11, s12;
	s12 =	smax.u32 s13, $0x1;
	s13 =	simm.s32 $0x200  }
0xf: {  	s10 =	sadd.s32 $0x80, s7;
	s14 =	sadd.s32 $0x100, s7;
	s4 =	sadd.s32 s6, s8  }
0x10: {  	s7 =	sshrl.u32 s7, $0x3;
	s26 =	sshll.u32 s10, $0x4;
	s28 =	sshll.u32 s14, $0x4  }
0x11: {  	s7 =	sadd.s32 s9, s7;
	s29 =	sshrl.u32 s10, $0x3;
	s30 =	sshrl.u32 s14, $0x3  }
0x12: {  	s10 =	sadd.s32 s31, s2;
	s14 =	simm.s32 $0x4200;
	s5 =	sadd.s32 s6, s26  }
0x13: {  	v1 =	vimm.f32 $0.0e+00;
	s6 =	sadd.s32 s6, s28;
	s8 =	sadd.s32 s9, s29;
	s9 =	sadd.s32 s9, s30  }
.LBB2_1:
0x14: {  	[tilespmem:s13], [sflag:$0x1] =	stream.linear.gather [hbm4b:s4+s3], $0x4000, $0x38;
	[tilespmem:$0xD200] =	vst v63  }
0x15: {  	_ = 	snop  }
0x16: {  	[tilespmem:s14], [sflag:$0x2] =	stream.linear.gather [hbm4b:s5+s3], $0x4000, $0x38;
	[tilespmem:$0xD200] =	vst v63  }
0x17: {  	_ = 	snop  }
0x18: {  	[tilespmem:s15], [sflag:$0x3] =	stream.linear.gather [hbm4b:s6+s3], $0x4000, $0x38;
	[tilespmem:$0xD200] =	vst v63  }
0x19: {  	_ = 	snop  }
0x1a: {  	[tilespmem:s3], [sflag:$0x7] =	stream.linear.gather [hbm4b:s7+s3], $0x80, $0x38;
	[tilespmem:$0xD200] =	vst v63  }
0x1b: {  	_ =	swait.ge [sflag:s16], $0x80  }
0x1c: {  	[sflag:s16] =	ssyncset.done $0x0  }
0x1d: {  	[sflag:s16] =	ssyncadd.s32 $0xFFFFFF80  }
0x1e: {  	[tilespmem:s17], [sflag:$0x7] =	stream.linear.gather [hbm4b:s8+s3], $0x80, $0x38;
	[tilespmem:$0xD200] =	vst v63  }
0x1f: {  	_ =	swait.ge [sflag:s16], $0x80  }
0x20: {  	[sflag:s16] =	ssyncset.done $0x0  }
0x21: {  	[sflag:s16] =	ssyncadd.s32 $0xFFFFFF80  }
0x22: {  	[tilespmem:s18], [sflag:$0x7] =	stream.linear.gather [hbm4b:s9+s3], $0x80, $0x38;
	[tilespmem:$0xD200] =	vst v63  }
0x23: {  	_ =	swait.ge [sflag:s16], $0x80  }
0x24: {  	[sflag:s16] =	ssyncset.done $0x0  }
0x25: {  	[sflag:s16] =	ssyncadd.s32 $0xFFFFFF80  }
0x26: {  	[tilespmem:$0xC200] =	vst v1  }
0x27: {  	[tilespmem:$0xC210] =	vst v1  }
0x28: {  	[tilespmem:$0xC220] =	vst v1  }
0x29: {  	[tilespmem:$0xC230] =	vst v1  }
0x2a: {  	[tilespmem:$0xC240] =	vst v1  }
0x2b: {  	[tilespmem:$0xC250] =	vst v1  }
0x2c: {  	[tilespmem:$0xC260] =	vst v1  }
0x2d: {  	[tilespmem:$0xC270] =	vst v1  }
0x2e: {  	[tilespmem:$0xC280] =	vst v1  }
0x2f: {  	[tilespmem:$0xC290] =	vst v1  }
0x30: {  	[tilespmem:$0xC2A0] =	vst v1  }
0x31: {  	[tilespmem:$0xC2B0] =	vst v1  }
0x32: {  	[tilespmem:$0xC2C0] =	vst v1  }
0x33: {  	[tilespmem:$0xC2D0] =	vst v1  }
0x34: {  	[tilespmem:$0xC2E0] =	vst v1  }
0x35: {  	[tilespmem:$0xC2F0] =	vst v1  }
0x36: {  	[tilespmem:$0xC300] =	vst v1  }
0x37: {  	[tilespmem:$0xC310] =	vst v1  }
0x38: {  	[tilespmem:$0xC320] =	vst v1  }
0x39: {  	[tilespmem:$0xC330] =	vst v1  }
0x3a: {  	[tilespmem:$0xC340] =	vst v1  }
0x3b: {  	[tilespmem:$0xC350] =	vst v1  }
0x3c: {  	[tilespmem:$0xC360] =	vst v1  }
0x3d: {  	[tilespmem:$0xC370] =	vst v1  }
0x3e: {  	[tilespmem:$0xC380] =	vst v1  }
0x3f: {  	[tilespmem:$0xC390] =	vst v1  }
0x40: {  	[tilespmem:$0xC3A0] =	vst v1  }
0x41: {  	[tilespmem:$0xC3B0] =	vst v1  }
0x42: {  	[tilespmem:$0xC3C0] =	vst v1  }
0x43: {  	[tilespmem:$0xC3D0] =	vst v1  }
0x44: {  	[tilespmem:$0xC3E0] =	vst v1  }
0x45: {  	[tilespmem:$0xC3F0] =	vst v1  }
0x46: {  	[tilespmem:$0xC400] =	vst v1  }
0x47: {  	[tilespmem:$0xC410] =	vst v1  }
0x48: {  	[tilespmem:$0xC420] =	vst v1  }
0x49: {  	[tilespmem:$0xC430] =	vst v1  }
0x4a: {  	[tilespmem:$0xC440] =	vst v1  }
0x4b: {  	[tilespmem:$0xC450] =	vst v1  }
0x4c: {  	[tilespmem:$0xC460] =	vst v1  }
0x4d: {  	[tilespmem:$0xC470] =	vst v1  }
0x4e: {  	[tilespmem:$0xC480] =	vst v1  }
0x4f: {  	[tilespmem:$0xC490] =	vst v1  }
0x50: {  	[tilespmem:$0xC4A0] =	vst v1  }
0x51: {  	[tilespmem:$0xC4B0] =	vst v1  }
0x52: {  	[tilespmem:$0xC4C0] =	vst v1  }
0x53: {  	[tilespmem:$0xC4D0] =	vst v1  }
0x54: {  	[tilespmem:$0xC4E0] =	vst v1  }
0x55: {  	[tilespmem:$0xC4F0] =	vst v1  }
0x56: {  	[tilespmem:$0xC500] =	vst v1  }
0x57: {  	[tilespmem:$0xC510] =	vst v1  }
0x58: {  	[tilespmem:$0xC520] =	vst v1  }
0x59: {  	[tilespmem:$0xC530] =	vst v1  }
0x5a: {  	[tilespmem:$0xC540] =	vst v1  }
0x5b: {  	[tilespmem:$0xC550] =	vst v1  }
0x5c: {  	[tilespmem:$0xC560] =	vst v1  }
0x5d: {  	[tilespmem:$0xC570] =	vst v1  }
0x5e: {  	[tilespmem:$0xC580] =	vst v1  }
0x5f: {  	[tilespmem:$0xC590] =	vst v1  }
0x60: {  	[tilespmem:$0xC5A0] =	vst v1  }
0x61: {  	[tilespmem:$0xC5B0] =	vst v1  }
0x62: {  	[tilespmem:$0xC5C0] =	vst v1  }
0x63: {  	[tilespmem:$0xC5D0] =	vst v1  }
0x64: {  	[tilespmem:$0xC5E0] =	vst v1  }
0x65: {  	[tilespmem:$0xC5F0] =	vst v1  }
0x66: {  	[tilespmem:$0xC600] =	vst v1  }
0x67: {  	[tilespmem:$0xC610] =	vst v1  }
0x68: {  	[tilespmem:$0xC620] =	vst v1  }
0x69: {  	[tilespmem:$0xC630] =	vst v1  }
0x6a: {  	[tilespmem:$0xC640] =	vst v1  }
0x6b: {  	[tilespmem:$0xC650] =	vst v1  }
0x6c: {  	[tilespmem:$0xC660] =	vst v1  }
0x6d: {  	[tilespmem:$0xC670] =	vst v1  }
0x6e: {  	[tilespmem:$0xC680] =	vst v1  }
0x6f: {  	[tilespmem:$0xC690] =	vst v1  }
0x70: {  	[tilespmem:$0xC6A0] =	vst v1  }
0x71: {  	[tilespmem:$0xC6B0] =	vst v1  }
0x72: {  	[tilespmem:$0xC6C0] =	vst v1  }
0x73: {  	[tilespmem:$0xC6D0] =	vst v1  }
0x74: {  	[tilespmem:$0xC6E0] =	vst v1  }
0x75: {  	[tilespmem:$0xC6F0] =	vst v1  }
0x76: {  	[tilespmem:$0xC700] =	vst v1  }
0x77: {  	[tilespmem:$0xC710] =	vst v1  }
0x78: {  	[tilespmem:$0xC720] =	vst v1  }
0x79: {  	[tilespmem:$0xC730] =	vst v1  }
0x7a: {  	[tilespmem:$0xC740] =	vst v1  }
0x7b: {  	[tilespmem:$0xC750] =	vst v1  }
0x7c: {  	[tilespmem:$0xC760] =	vst v1  }
0x7d: {  	[tilespmem:$0xC770] =	vst v1  }
0x7e: {  	[tilespmem:$0xC780] =	vst v1  }
0x7f: {  	[tilespmem:$0xC790] =	vst v1  }
0x80: {  	[tilespmem:$0xC7A0] =	vst v1  }
0x81: {  	[tilespmem:$0xC7B0] =	vst v1  }
0x82: {  	[tilespmem:$0xC7C0] =	vst v1  }
0x83: {  	[tilespmem:$0xC7D0] =	vst v1  }
0x84: {  	[tilespmem:$0xC7E0] =	vst v1  }
0x85: {  	[tilespmem:$0xC7F0] =	vst v1  }
0x86: {  	[tilespmem:$0xC800] =	vst v1  }
0x87: {  	[tilespmem:$0xC810] =	vst v1  }
0x88: {  	[tilespmem:$0xC820] =	vst v1  }
0x89: {  	[tilespmem:$0xC830] =	vst v1  }
0x8a: {  	[tilespmem:$0xC840] =	vst v1  }
0x8b: {  	[tilespmem:$0xC850] =	vst v1  }
0x8c: {  	[tilespmem:$0xC860] =	vst v1  }
0x8d: {  	[tilespmem:$0xC870] =	vst v1  }
0x8e: {  	[tilespmem:$0xC880] =	vst v1  }
0x8f: {  	[tilespmem:$0xC890] =	vst v1  }
0x90: {  	[tilespmem:$0xC8A0] =	vst v1  }
0x91: {  	[tilespmem:$0xC8B0] =	vst v1  }
0x92: {  	[tilespmem:$0xC8C0] =	vst v1  }
0x93: {  	[tilespmem:$0xC8D0] =	vst v1  }
0x94: {  	[tilespmem:$0xC8E0] =	vst v1  }
0x95: {  	[tilespmem:$0xC8F0] =	vst v1  }
0x96: {  	[tilespmem:$0xC900] =	vst v1  }
0x97: {  	[tilespmem:$0xC910] =	vst v1  }
0x98: {  	[tilespmem:$0xC920] =	vst v1  }
0x99: {  	[tilespmem:$0xC930] =	vst v1  }
0x9a: {  	[tilespmem:$0xC940] =	vst v1  }
0x9b: {  	[tilespmem:$0xC950] =	vst v1  }
0x9c: {  	[tilespmem:$0xC960] =	vst v1  }
0x9d: {  	[tilespmem:$0xC970] =	vst v1  }
0x9e: {  	[tilespmem:$0xC980] =	vst v1  }
0x9f: {  	[tilespmem:$0xC990] =	vst v1  }
0xa0: {  	v2 =	vld [tilespmem:$0x0];
	[tilespmem:$0xC9A0] =	vst v1  }
0xa1: {  	v3 =	vld [tilespmem:$0x10];
	[tilespmem:$0xC9B0] =	vst v1  }
0xa2: {  	v4 =	vld [tilespmem:$0x20];
	[tilespmem:$0xC9C0] =	vst v1  }
0xa3: {  	v5 =	vld [tilespmem:$0x30];
	[tilespmem:$0xC9D0] =	vst v1  }
0xa4: {  	v6 =	vld [tilespmem:$0x40];
	[tilespmem:$0xC9E0] =	vst v1  }
0xa5: {  	v7 =	vld [tilespmem:$0x50];
	[tilespmem:$0xC9F0] =	vst v1;
	v2 =	vadd.s32 v0, v2  }
0xa6: {  	[tilespmem:$0x0] =	vst v2;
	v2 =	vadd.s32 v0, v3;
	v3 =	vld [tilespmem:$0x60]  }
0xa7: {  	v50 =	vld [tilespmem:$0x70];
	[tilespmem:$0x10] =	vst v2;
	v2 =	vadd.s32 v0, v4  }
0xa8: {  	v51 =	vld [tilespmem:$0x80];
	[tilespmem:$0x20] =	vst v2;
	v2 =	vadd.s32 v0, v5  }
0xa9: {  	v52 =	vld [tilespmem:$0x90];
	[tilespmem:$0x30] =	vst v2;
	v2 =	vadd.s32 v0, v6  }
0xaa: {  	v53 =	vld [tilespmem:$0xA0];
	[tilespmem:$0x40] =	vst v2;
	v2 =	vadd.s32 v0, v7  }
0xab: {  	[tilespmem:$0x50] =	vst v2;
	v2 =	vadd.s32 v0, v3;
	v3 =	vld [tilespmem:$0xB0]  }
0xac: {  	v54 =	vld [tilespmem:$0xC0];
	[tilespmem:$0x60] =	vst v2;
	v2 =	vadd.s32 v0, v50  }
0xad: {  	v55 =	vld [tilespmem:$0xD0];
	[tilespmem:$0x70] =	vst v2;
	v2 =	vadd.s32 v0, v51  }
0xae: {  	v56 =	vld [tilespmem:$0xE0];
	[tilespmem:$0x80] =	vst v2;
	v2 =	vadd.s32 v0, v52  }
0xaf: {  	v57 =	vld [tilespmem:$0xF0];
	[tilespmem:$0x90] =	vst v2;
	v2 =	vadd.s32 v0, v53  }
0xb0: {  	[tilespmem:$0xA0] =	vst v2;
	v2 =	vadd.s32 v0, v3;
	v3 =	vld [tilespmem:$0x100]  }
0xb1: {  	v58 =	vld [tilespmem:$0x110];
	[tilespmem:$0xB0] =	vst v2;
	v2 =	vadd.s32 v0, v54  }
0xb2: {  	v59 =	vld [tilespmem:$0x120];
	[tilespmem:$0xC0] =	vst v2;
	v2 =	vadd.s32 v0, v55  }
0xb3: {  	v60 =	vld [tilespmem:$0x130];
	[tilespmem:$0xD0] =	vst v2;
	v2 =	vadd.s32 v0, v56  }
0xb4: {  	v61 =	vld [tilespmem:$0x140];
	[tilespmem:$0xE0] =	vst v2;
	v2 =	vadd.s32 v0, v57  }
0xb5: {  	[tilespmem:$0xF0] =	vst v2;
	v2 =	vadd.s32 v0, v3;
	v3 =	vld [tilespmem:$0x150]  }
0xb6: {  	v62 =	vld [tilespmem:$0x160];
	[tilespmem:$0x100] =	vst v2;
	v2 =	vadd.s32 v0, v58  }
0xb7: {  	v63 =	vld [tilespmem:$0x170];
	[tilespmem:$0x110] =	vst v2;
	v2 =	vadd.s32 v0, v59  }
0xb8: {  	[tilespmem:$0x120] =	vst v2;
	v2 =	vadd.s32 v0, v60  }
0xb9: {  	[tilespmem:$0x130] =	vst v2;
	v2 =	vadd.s32 v0, v61  }
0xba: {  	[tilespmem:$0x140] =	vst v2;
	v2 =	vadd.s32 v0, v3  }
0xbb: {  	[tilespmem:$0x150] =	vst v2;
	v2 =	vadd.s32 v0, v62  }
0xbc: {  	[tilespmem:$0x160] =	vst v2;
	v2 =	vadd.s32 v0, v63  }
0xbd: {  	[tilespmem:$0x170] =	vst v2  }
0xbe: {  	[spmem:s10] =	stream.linear.scatter [tilespmem:s19], [sflag:$0x7], $0x800, $0x38;
	[tilespmem:$0xD200] =	vst v63  }
0xbf: {  	_ =	swait.ge [sflag:s16], $0x800  }
0xc0: {  	[sflag:s16] =	ssyncset.done $0x0  }
0xc1: {  	[sflag:s16] =	ssyncadd.s32 $0xFFFFF800  }
0xc2: {  	_ =	swait.ge [sflag:s20], $0x4000  }
0xc3: {  	[sflag:s20] =	ssyncset.done $0x0  }
0xc4: {  	[sflag:s20] =	ssyncadd.s32 $0xFFFFC000  }
0xc5: {  	[spmem:s2] =	stream.indirect.scatter.add.f32 [tilespmem:s13], [sflag:$0x4], $0x80, s3, s17, $0xb8;
	[tilespmem:$0xD200] =	vst v63  }
0xc6: {  	_ =	swait.ge [sflag:s21], $0x4000  }
0xc7: {  	[sflag:s21] =	ssyncset.done $0x0  }
0xc8: {  	[sflag:s21] =	ssyncadd.s32 $0xFFFFC000  }
0xc9: {  	[spmem:s2] =	stream.indirect.scatter.add.f32 [tilespmem:s14], [sflag:$0x5], $0x80, s17, s17, $0xb8;
	[tilespmem:$0xD200] =	vst v63  }
0xca: {  	_ =	swait.ge [sflag:s22], $0x4000  }
0xcb: {  	[sflag:s22] =	ssyncset.done $0x0  }
0xcc: {  	[sflag:s22] =	ssyncadd.s32 $0xFFFFC000  }
0xcd: {  	[spmem:s2] =	stream.indirect.scatter.add.f32 [tilespmem:s15], [sflag:$0x6], $0x80, s18, s17, $0xb8;
	[tilespmem:$0xD200] =	vst v63  }
0xce: {  	_ =	swait.ge [sflag:s23], $0x4000  }
0xcf: {  	[sflag:s23] =	ssyncset.done $0x0  }
0xd0: {  	[sflag:s23] =	ssyncadd.s32 $0xFFFFC000  }
0xd1: {  	_ =	swait.ge [sflag:s24], $0x4000  }
0xd2: {  	[sflag:s24] =	ssyncset.done $0x0  }
0xd3: {  	[sflag:s24] =	ssyncadd.s32 $0xFFFFC000  }
0xd4: {  	s26 =	sshll.u32 s1, $0x6;
	_ =	swait.ge [sflag:s25], $0x4000  }
0xd5: {  	s28 =	sshrl.u32 s10, $0x3;
	p0 =	sne.s32 s12, $0x1;
	[sflag:s25] =	ssyncset.done $0x0  }
.Ltmp0:
0xd6: {  	s26 =	sor.u32 $0x1C07, s26;
	[sflag:s25] =	ssyncadd.s32 $0xFFFFC000;
	(pc) =	sbr.rel @p0 .LBB2_1-.Ltmp0, $4  }
0xd7: {  	[hbm:s11], [sflag:s26] =	dma.local [spmem:s28], $0x100  }
0xd8: {  	_ =	swait.ge [sflag:s16], $0x100  }
0xd9: {  	[sflag:s16] =	ssyncset.done $0x0  }
0xda: {  	s12 =	sadd.s32 $0xFFFFFFFF, s12;
	[sflag:s16] =	ssyncadd.s32 $0xFFFFFF00  }
0xdb: {  	_ =	sfence.sel $0x180000  }
0xdc: {  	[bflag:$0x0] =	sbarrier.arrive $0xFFFF  }
0xdd: {  	p0 =	sne.s32 s1, $0x0;
	_ =	strace $0x90000047  }
0xde: {  	s0 =	sadd.s32 @!p0 $0x100000, s0;
	[bflag:$0x2] =	sbarrier.arrive $0xFFFF  }
0xdf: {  	[sflag:s0] =	ssyncadd.tile.s32 @!p0 $0x1;
	_ =	shalt  }
.Lfunc_end2:
_tile_overlayer_lowered:
.L_overlay_start_2:
0xe0: {  	(tag) =	ssettag $0x2  }
0xe1: {  	s0 =	rddreg [dreg:$0x0];
	s2 =	stileid.u32  }
0xe2: {  	s1 =	rddreg [dreg:$0x1];
	p0 =	sne.s32 s2, $0x0  }
0xe3: {  	s3 =	rddreg [dreg:$0x2];
	[bflag:$0x3] =	sbarrier.arrive $0xFFFF;
	s2 =	simm.s32 @!p0 $0x1C07  }
0xe4: {  	[timem:s3], [sflag:s2] =	dma.local @!p0 [hbm:s0], s1  }
0xe5: {  	s0 =	simm.s32 @!p0 $0x7  }
0xe6: {  	_ =	swait.ge @!p0 [sflag:s0], s1  }
0xe7: {  	s1 =	ssub.s32 @!p0 $0x0, s1;
	[sflag:s0] =	ssyncset.done @!p0 $0x0  }
0xe8: {  	[sflag:s0] =	ssyncadd.s32 @!p0 s1  }
0xe9: {  	[bflag:$0x3] =	sbarrier.arrive $0xFFFF  }
0xea: {  	_ =	shalt  }

</sc_bundles>
